<compile_context>
chip_gen: v7x
topology: tpu7x:2x2x1
jax: 0.10.2.dev20260603
libtpu: 0.0.44.dev20260713+nightly
codegen_flags: <defaults>
</compile_context>

<pallas_src>
import jax
import jax.numpy as jnp
from jax import lax
from jax.experimental import pallas as pl
from jax.experimental.pallas import tpu as pltpu
from jax.experimental.pallas import tpu_sc as plsc

_N = 10000
_E = 320000
_F = 128
_H = 128
_STEPS = 3

_NC = 2
_NS = 16
_NW = _NC * _NS
_EPW = _E // _NW
_CHUNK = 128
_NCH = 79
_EPW_PAD = _NCH * _CHUNK
_AGG_ROWS = 10240
_DUMMY_ROW = _N
_BLK = 1000



def _segsum_body(m_hbm, idx_hbm, out_hbm, rows_v, idx_v, agg_sh, gsem):
    c = lax.axis_index("c")
    s = lax.axis_index("s")
    wid = c * _NS + s

    def _zfill(r, carry):
        for k in range(_H // 16):
            rows_v[r, pl.ds(k * 16, 16)] = jnp.zeros((16,), jnp.float32)
        return carry
    lax.fori_loop(0, _CHUNK, _zfill, 0)
    for kk in range(_AGG_ROWS // _NS // _CHUNK):
        pltpu.sync_copy(rows_v,
                        agg_sh.at[pl.ds(s * (_AGG_ROWS // _NS) + kk * _CHUNK,
                                        _CHUNK)])

    pltpu.sync_copy(idx_hbm.at[wid], idx_v)
    plsc.subcore_barrier()

    off = wid * _NCH // _NW

    def _edge(i, carry):
        j = i + off
        j = jnp.where(j >= _NCH, j - _NCH, j)
        pltpu.async_copy(m_hbm.at[idx_v.at[j, 0]], rows_v, gsem).wait()
        pltpu.sync_copy(rows_v, agg_sh.at[idx_v.at[j, 1]], add=True)
        return carry
    lax.fori_loop(0, _NCH, _edge, 0)
    plsc.subcore_barrier()

    rows_out = _AGG_ROWS // _NS
    pltpu.sync_copy(agg_sh.at[pl.ds(s * rows_out, rows_out)],
                    out_hbm.at[c, pl.ds(s * rows_out, rows_out)])


@jax.jit
def _segsum(m, idx_p):
    mesh = plsc.VectorSubcoreMesh(core_axis_name="c", subcore_axis_name="s")
    f = pl.kernel(
        _segsum_body,
        out_type=jax.ShapeDtypeStruct((_NC, _AGG_ROWS, _H), jnp.float32),
        mesh=mesh,
        scratch_types=[
            pltpu.VMEM((_CHUNK, _H), jnp.float32),
            pltpu.VMEM((_NCH, 2, _CHUNK), jnp.int32),
            pltpu.VMEM_SHARED((_AGG_ROWS, _H), jnp.float32),
            pltpu.SemaphoreType.DMA,
        ],
    )
    return f(m, idx_p)


_NBKT = 32
_BKTW = 313


def _bucket(sv):
    return lax.shift_right_logical(sv * 107203, 25)


def _binsort_body(idx_hbm, out_hbm, idx_v, out_v, hist_v, pos_v):
    c = lax.axis_index("c")
    s = lax.axis_index("s")
    wid = c * _NS + s
    pltpu.sync_copy(idx_hbm.at[wid], idx_v)
    lane = lax.iota(jnp.int32, 16)
    zeros16 = jnp.zeros((16,), jnp.int32)

    for g in range(_NBKT):
        plsc.store_scatter(hist_v, [g * 16 + lane], zeros16)

    def _p1(j, carry):
        for k in range(_CHUNK // 16):
            sv = idx_v[j, 0, pl.ds(k * 16, 16)]
            hidx = _bucket(sv) * 16 + lane
            cur = plsc.load_gather(hist_v, [hidx])
            plsc.store_scatter(hist_v, [hidx], cur + 1)
        return carry
    lax.fori_loop(0, _NCH, _p1, 0)

    carry = jnp.zeros((), jnp.int32)
    for g in range(_NBKT):
        v = plsc.load_gather(hist_v, [g * 16 + lane])
        inc = plsc.cumsum(v)
        plsc.store_scatter(pos_v, [g * 16 + lane], inc - v + carry)
        carry = carry + jnp.sum(v)

    def _p2(j, carry):
        for k in range(_CHUNK // 16):
            sv = idx_v[j, 0, pl.ds(k * 16, 16)]
            dv = idx_v[j, 1, pl.ds(k * 16, 16)]
            hidx = _bucket(sv) * 16 + lane
            p = plsc.load_gather(pos_v, [hidx])
            plsc.store_scatter(pos_v, [hidx], p + 1)
            so = p + lax.shift_right_logical(p, 7) * 128
            plsc.store_scatter(out_v, [so], sv)
            plsc.store_scatter(out_v, [so + 128], dv)
        return carry
    lax.fori_loop(0, _NCH, _p2, 0)
    pltpu.sync_copy(out_v, out_hbm.at[wid])


@jax.jit
def _binsort(idx_p):
    mesh = plsc.VectorSubcoreMesh(core_axis_name="c", subcore_axis_name="s")
    f = pl.kernel(
        _binsort_body,
        out_type=jax.ShapeDtypeStruct((_NW, _NCH * 2 * _CHUNK), jnp.int32),
        mesh=mesh,
        compiler_params=pltpu.CompilerParams(needs_layout_passes=False),
        scratch_types=[
            pltpu.VMEM((_NCH, 2, _CHUNK), jnp.int32),
            pltpu.VMEM((_NCH * 2 * _CHUNK,), jnp.int32),
            pltpu.VMEM((16 * _NBKT,), jnp.int32),
            pltpu.VMEM((16 * _NBKT,), jnp.int32),
        ],
    )
    return f(idx_p)



def _proj_body(x_ref, wi_ref, wm_ref, h_ref, m_ref):
    h = jnp.dot(x_ref[...], wi_ref[...], preferred_element_type=jnp.float32)
    h_ref[...] = h
    m_ref[...] = jnp.dot(h, wm_ref[...], preferred_element_type=jnp.float32)


@jax.jit
def _proj(x, wi_t, wm0):
    return pl.pallas_call(
        _proj_body,
        grid=(_N // _BLK,),
        in_specs=[
            pl.BlockSpec((_BLK, _F), lambda i: (i, 0)),
            pl.BlockSpec((_F, _H), lambda i: (0, 0)),
            pl.BlockSpec((_H, _H), lambda i: (0, 0)),
        ],
        out_specs=[
            pl.BlockSpec((_BLK, _H), lambda i: (i, 0)),
            pl.BlockSpec((_BLK, _H), lambda i: (i, 0)),
        ],
        out_shape=[
            jax.ShapeDtypeStruct((_N, _H), jnp.float32),
            jax.ShapeDtypeStruct((_N, _H), jnp.float32),
        ],
    )(x, wi_t, wm0)


def _gru_math(a0, a1, h, wih_t, whh_t, bih, bhh):
    agg = a0[0] + a1[0]
    gi = jnp.dot(agg, wih_t, preferred_element_type=jnp.float32) + bih
    gh = jnp.dot(h, whh_t, preferred_element_type=jnp.float32) + bhh
    r = jax.nn.sigmoid(gi[:, :_H] + gh[:, :_H])
    z = jax.nn.sigmoid(gi[:, _H:2 * _H] + gh[:, _H:2 * _H])
    n = jnp.tanh(gi[:, 2 * _H:] + r * gh[:, 2 * _H:])
    return (1.0 - z) * n + z * h


def _gru_next_body(a0_ref, a1_ref, h_ref, wih_ref, whh_ref, bih_ref, bhh_ref,
                   wm_ref, hout_ref, mout_ref):
    hn = _gru_math(a0_ref[...], a1_ref[...], h_ref[...], wih_ref[...],
                   whh_ref[...], bih_ref[...], bhh_ref[...])
    hout_ref[...] = hn
    mout_ref[...] = jnp.dot(hn, wm_ref[...], preferred_element_type=jnp.float32)


def _gru_last_body(a0_ref, a1_ref, h_ref, wih_ref, whh_ref, bih_ref, bhh_ref,
                   wp_ref, bp_ref, out_ref, acc_ref):
    i = pl.program_id(0)

    @pl.when(i == 0)
    def _():
        acc_ref[...] = jnp.zeros_like(acc_ref)

    hn = _gru_math(a0_ref[...], a1_ref[...], h_ref[...], wih_ref[...],
                   whh_ref[...], bih_ref[...], bhh_ref[...])
    leak = jnp.where(hn > 0, hn, 0.01 * hn)
    acc_ref[...] += jnp.sum(leak, axis=0, keepdims=True)

    @pl.when(i == pl.num_programs(0) - 1)
    def _():
        g = acc_ref[...] / _N
        out_ref[...] = (jnp.sum(g * wp_ref[...], axis=1, keepdims=True)
                        + bp_ref[...])


_GRU_IN_SPECS = [
    pl.BlockSpec((1, _BLK, _H), lambda i: (0, i, 0)),
    pl.BlockSpec((1, _BLK, _H), lambda i: (1, i, 0)),
    pl.BlockSpec((_BLK, _H), lambda i: (i, 0)),
    pl.BlockSpec((_H, 3 * _H), lambda i: (0, 0)),
    pl.BlockSpec((_H, 3 * _H), lambda i: (0, 0)),
    pl.BlockSpec((1, 3 * _H), lambda i: (0, 0)),
    pl.BlockSpec((1, 3 * _H), lambda i: (0, 0)),
]


@jax.jit
def _gru_next(a0, a1, h, wih_t, whh_t, bih, bhh, wm):
    return pl.pallas_call(
        _gru_next_body,
        grid=(_N // _BLK,),
        in_specs=_GRU_IN_SPECS + [pl.BlockSpec((_H, _H), lambda i: (0, 0))],
        out_specs=[
            pl.BlockSpec((_BLK, _H), lambda i: (i, 0)),
            pl.BlockSpec((_BLK, _H), lambda i: (i, 0)),
        ],
        out_shape=[
            jax.ShapeDtypeStruct((_N, _H), jnp.float32),
            jax.ShapeDtypeStruct((_N, _H), jnp.float32),
        ],
    )(a0, a1, h, wih_t, whh_t, bih, bhh, wm)


@jax.jit
def _gru_last(a0, a1, h, wih_t, whh_t, bih, bhh, wp, bp):
    return pl.pallas_call(
        _gru_last_body,
        grid=(_N // _BLK,),
        in_specs=_GRU_IN_SPECS + [
            pl.BlockSpec((1, _H), lambda i: (0, 0)),
            pl.BlockSpec((1, 1), lambda i: (0, 0)),
        ],
        out_specs=pl.BlockSpec((1, 1), lambda i: (0, 0)),
        out_shape=jax.ShapeDtypeStruct((1, 1), jnp.float32),
        scratch_shapes=[pltpu.VMEM((1, _H), jnp.float32)],
    )(a0, a1, h, wih_t, whh_t, bih, bhh, wp, bp)



def kernel(x, edge_index, W_input, W_mpnn, W_ih, W_hh, b_ih, b_hh,
           W_pred, b_pred):
    wi_t = W_input.T
    wih_t = W_ih.T
    whh_t = W_hh.T
    bih = b_ih.reshape(1, 3 * _H)
    bhh = b_hh.reshape(1, 3 * _H)

    ei = edge_index.astype(jnp.int32)
    pad = _EPW_PAD - _EPW
    src_p = jnp.pad(ei[0].reshape(_NW, _EPW), ((0, 0), (0, pad)),
                    constant_values=0).reshape(_NW, _NCH, _CHUNK)
    dst_p = jnp.pad(ei[1].reshape(_NW, _EPW), ((0, 0), (0, pad)),
                    constant_values=_DUMMY_ROW).reshape(_NW, _NCH, _CHUNK)
    idx_p = jnp.stack([src_p, dst_p], axis=2)
    idx_s = _binsort(idx_p).reshape(_NW, _NCH, 2, _CHUNK)

    h, m = _proj(x, wi_t, W_mpnn[0])
    for t in range(_STEPS):
        aggp = _segsum(m, idx_s)
        if t < _STEPS - 1:
            h, m = _gru_next(aggp, aggp, h, wih_t, whh_t, bih, bhh,
                             W_mpnn[t + 1])
        else:
            out = _gru_last(aggp, aggp, h, wih_t, whh_t, bih, bhh,
                            W_pred, b_pred.reshape(1, 1))
    return out.reshape(1)

# --- scband reference (transcript-rebuilt; emitter-appended) ---
"""Pipeline reference for scband-model-77086073028807 (READ-ONLY COPY).

The authoritative reference and input builder live on the scoring server;
editing this copy changes nothing except your own understanding.
"""

import jax, jax.numpy as jnp
import numpy as np

N = 10000
E = 320000
F = 128
H = 128
STEPS = 3

def setup_inputs(seed: int = 0) -> dict:
    key = jax.random.key(seed)
    ks = jax.random.split(key, 10)
    x = jax.random.normal(ks[0], (N, F), dtype=jnp.float32)
    edge_index = jax.random.randint(ks[1], (2, E), 0, N)
    W_input = jax.random.normal(ks[2], (H, F), dtype=jnp.float32) * 0.05
    W_mpnn = jax.random.normal(ks[3], (STEPS, H, H), dtype=jnp.float32) * 0.05
    W_ih = jax.random.normal(ks[4], (3 * H, H), dtype=jnp.float32) * 0.05
    W_hh = jax.random.normal(ks[5], (3 * H, H), dtype=jnp.float32) * 0.05
    b_ih = jax.random.normal(ks[6], (3 * H,), dtype=jnp.float32) * 0.05
    b_hh = jax.random.normal(ks[7], (3 * H,), dtype=jnp.float32) * 0.05
    W_pred = jax.random.normal(ks[8], (1, H), dtype=jnp.float32) * 0.05
    b_pred = jax.random.normal(ks[9], (1,), dtype=jnp.float32) * 0.05
    return {"x": x, "edge_index": edge_index, "W_input": W_input, "W_mpnn": W_mpnn,
            "W_ih": W_ih, "W_hh": W_hh, "b_ih": b_ih, "b_hh": b_hh,
            "W_pred": W_pred, "b_pred": b_pred}

def _gru_cell(inp, h, W_ih, W_hh, b_ih, b_hh):
    gi = inp @ W_ih.T + b_ih
    gh = h @ W_hh.T + b_hh
    i_r, i_z, i_n = jnp.split(gi, 3, axis=-1)
    h_r, h_z, h_n = jnp.split(gh, 3, axis=-1)
    r = jax.nn.sigmoid(i_r + h_r)
    z = jax.nn.sigmoid(i_z + h_z)
    n = jnp.tanh(i_n + r * h_n)
    return (1.0 - z) * n + z * h

def reference(x, edge_index, W_input, W_mpnn, W_ih, W_hh, b_ih, b_hh, W_pred, b_pred):
    # input_layer (no bias)
    h = x @ W_input.T
    src = edge_index[0]
    dst = edge_index[1]
    # GatedGraphConv: in_channels == out_channels, so no zero-padding needed
    for t in range(STEPS):
        m = h @ W_mpnn[t]
        agg = jax.ops.segment_sum(m[src], dst, num_segments=N)
        h = _gru_cell(agg, h, W_ih, W_hh, b_ih, b_hh)
    # LeakyReLU (default negative_slope=0.01)
    h = jnp.where(h > 0, h, 0.01 * h)
    g = jnp.mean(h, axis=0)
    out = g @ W_pred.T + b_pred
    return out

if __name__ == "__main__":
    import jax
    _d = setup_inputs()
    print(jax.jit(kernel)(*tuple(_d.values())))

</pallas_src>

<mosaic_0001>
#map = affine_map<(d0, d1) -> (0, 0, 0, 0)>
#map1 = affine_map<(d0, d1) -> (0, 0)>
module attributes {stable_mosaic.version = 14 : i64} {
  func.func @_binsort_body(%arg0: i32, %arg1: i32, %arg2: memref<32x79x2x128xi32, #tpu.memory_space<hbm>>, %arg3: memref<32x20224xi32, #tpu.memory_space<hbm>>, %arg4: memref<79x2x128xi32, #tpu.memory_space<vmem>>, %arg5: memref<20224xi32, #tpu.memory_space<vmem>>, %arg6: memref<512xi32, #tpu.memory_space<vmem>>, %arg7: memref<512xi32, #tpu.memory_space<vmem>>) attributes {dimension_semantics = [#tpu.dimension_semantics<core_parallel>, #tpu.dimension_semantics<subcore_parallel>], iteration_bounds = array<i64: 2, 16>, scalar_prefetch = 0 : i64, scratch_operands = 4 : i64, tpu.core_type = #tpu.core_type<sc_vector_subcore>, window_params = [{transform_indices = #map}, {transform_indices = #map1}]} {
    %mul3A = arith.constant 16 : i32
    %mul3A_0 = arith.muli %arg0, %mul3A : i32
    %add3A = arith.addi %mul3A_0, %arg1 : i32
    "tpu.region"() ({
      %run_scoped3A = tpu.sem_alloc : memref<!tpu.dma_semaphore, #tpu.memory_space<semaphore_mem>>
      %dma_start3A = arith.constant 0 : i32
      %dma_start3A_683 = arith.constant 0 : i32
      %dma_start3A_684 = arith.constant 0 : i32
      %dma_start3A_685 = tpu.memref_slice %arg2[%add3A, %dma_start3A, %dma_start3A_683, %dma_start3A_684] : memref<32x79x2x128xi32, #tpu.memory_space<hbm>> -> memref<1x79x2x128xi32, #tpu.memory_space<hbm>>
      %dma_start3A_686 = tpu.memref_squeeze %dma_start3A_685 : memref<1x79x2x128xi32, #tpu.memory_space<hbm>> -> memref<79x2x128xi32, #tpu.memory_space<hbm>>
      %dma_start3A_687 = arith.constant 0 : i32
      %dma_start3A_688 = arith.constant 0 : i32
      %dma_start3A_689 = arith.constant 0 : i32
      %dma_start3A_690 = tpu.memref_slice %arg2[%add3A, %dma_start3A_687, %dma_start3A_688, %dma_start3A_689] : memref<32x79x2x128xi32, #tpu.memory_space<hbm>> -> memref<1x79x2x128xi32, #tpu.memory_space<hbm>>
      %dma_start3A_691 = tpu.memref_squeeze %dma_start3A_690 : memref<1x79x2x128xi32, #tpu.memory_space<hbm>> -> memref<79x2x128xi32, #tpu.memory_space<hbm>>
      tpu.enqueue_dma source(%dma_start3A_691 : memref<79x2x128xi32, #tpu.memory_space<hbm>>) target(%arg4 : memref<79x2x128xi32, #tpu.memory_space<vmem>>) target_semaphore(%run_scoped3A : memref<!tpu.dma_semaphore, #tpu.memory_space<semaphore_mem>>)
      %dma_wait3A = arith.constant 0 : i32
      %dma_wait3A_692 = arith.constant 0 : i32
      %dma_wait3A_693 = arith.constant 0 : i32
      %dma_wait3A_694 = tpu.memref_slice %arg2[%add3A, %dma_wait3A, %dma_wait3A_692, %dma_wait3A_693] : memref<32x79x2x128xi32, #tpu.memory_space<hbm>> -> memref<1x79x2x128xi32, #tpu.memory_space<hbm>>
      %dma_wait3A_695 = tpu.memref_squeeze %dma_wait3A_694 : memref<1x79x2x128xi32, #tpu.memory_space<hbm>> -> memref<79x2x128xi32, #tpu.memory_space<hbm>>
      %dma_wait3A_696 = arith.constant 0 : i32
      %dma_wait3A_697 = arith.constant 0 : i32
      %dma_wait3A_698 = arith.constant 0 : i32
      %dma_wait3A_699 = tpu.memref_slice %arg2[%add3A, %dma_wait3A_696, %dma_wait3A_697, %dma_wait3A_698] : memref<32x79x2x128xi32, #tpu.memory_space<hbm>> -> memref<1x79x2x128xi32, #tpu.memory_space<hbm>>
      %dma_wait3A_700 = tpu.memref_squeeze %dma_wait3A_699 : memref<1x79x2x128xi32, #tpu.memory_space<hbm>> -> memref<79x2x128xi32, #tpu.memory_space<hbm>>
      tpu.wait_dma2 semaphore(%run_scoped3A : memref<!tpu.dma_semaphore, #tpu.memory_space<semaphore_mem>>) src(%dma_wait3A_700 : memref<79x2x128xi32, #tpu.memory_space<hbm>>) dst(%arg4 : memref<79x2x128xi32, #tpu.memory_space<vmem>>)
      tpu.yield
    }) : () -> ()
    %iota3A = tpu.iota {dimensions = array<i32: 0>} : vector<16xi32>
    %broadcast_in_dim3A = arith.constant 0 : i32
    %broadcast_in_dim3A_1 = vector.broadcast %broadcast_in_dim3A : i32 to vector<16xi32>
    %add3A_2 = arith.constant 0 : i32
    %add3A_3 = vector.broadcast %add3A_2 : i32 to vector<16xi32>
    %add3A_4 = arith.addi %add3A_3, %iota3A : vector<16xi32>
    tpu.vector_store_idx %arg6[%add3A_4], %broadcast_in_dim3A_1 : memref<512xi32, #tpu.memory_space<vmem>>[vector<16xi32>], vector<16xi32>,
    %add3A_5 = arith.constant 16 : i32
    %add3A_6 = vector.broadcast %add3A_5 : i32 to vector<16xi32>
    %add3A_7 = arith.addi %add3A_6, %iota3A : vector<16xi32>
    tpu.vector_store_idx %arg6[%add3A_7], %broadcast_in_dim3A_1 : memref<512xi32, #tpu.memory_space<vmem>>[vector<16xi32>], vector<16xi32>,
    %add3A_8 = arith.constant 32 : i32
    %add3A_9 = vector.broadcast %add3A_8 : i32 to vector<16xi32>
    %add3A_10 = arith.addi %add3A_9, %iota3A : vector<16xi32>
    tpu.vector_store_idx %arg6[%add3A_10], %broadcast_in_dim3A_1 : memref<512xi32, #tpu.memory_space<vmem>>[vector<16xi32>], vector<16xi32>,
    %add3A_11 = arith.constant 48 : i32
    %add3A_12 = vector.broadcast %add3A_11 : i32 to vector<16xi32>
    %add3A_13 = arith.addi %add3A_12, %iota3A : vector<16xi32>
    tpu.vector_store_idx %arg6[%add3A_13], %broadcast_in_dim3A_1 : memref<512xi32, #tpu.memory_space<vmem>>[vector<16xi32>], vector<16xi32>,
    %add3A_14 = arith.constant 64 : i32
    %add3A_15 = vector.broadcast %add3A_14 : i32 to vector<16xi32>
    %add3A_16 = arith.addi %add3A_15, %iota3A : vector<16xi32>
    tpu.vector_store_idx %arg6[%add3A_16], %broadcast_in_dim3A_1 : memref<512xi32, #tpu.memory_space<vmem>>[vector<16xi32>], vector<16xi32>,
    %add3A_17 = arith.constant 80 : i32
    %add3A_18 = vector.broadcast %add3A_17 : i32 to vector<16xi32>
    %add3A_19 = arith.addi %add3A_18, %iota3A : vector<16xi32>
    tpu.vector_store_idx %arg6[%add3A_19], %broadcast_in_dim3A_1 : memref<512xi32, #tpu.memory_space<vmem>>[vector<16xi32>], vector<16xi32>,
    %add3A_20 = arith.constant 96 : i32
    %add3A_21 = vector.broadcast %add3A_20 : i32 to vector<16xi32>
    %add3A_22 = arith.addi %add3A_21, %iota3A : vector<16xi32>
    tpu.vector_store_idx %arg6[%add3A_22], %broadcast_in_dim3A_1 : memref<512xi32, #tpu.memory_space<vmem>>[vector<16xi32>], vector<16xi32>,
    %add3A_23 = arith.constant 112 : i32
    %add3A_24 = vector.broadcast %add3A_23 : i32 to vector<16xi32>
    %add3A_25 = arith.addi %add3A_24, %iota3A : vector<16xi32>
    tpu.vector_store_idx %arg6[%add3A_25], %broadcast_in_dim3A_1 : memref<512xi32, #tpu.memory_space<vmem>>[vector<16xi32>], vector<16xi32>,
    %add3A_26 = arith.constant 128 : i32
    %add3A_27 = vector.broadcast %add3A_26 : i32 to vector<16xi32>
    %add3A_28 = arith.addi %add3A_27, %iota3A : vector<16xi32>
    tpu.vector_store_idx %arg6[%add3A_28], %broadcast_in_dim3A_1 : memref<512xi32, #tpu.memory_space<vmem>>[vector<16xi32>], vector<16xi32>,
    %add3A_29 = arith.constant 144 : i32
    %add3A_30 = vector.broadcast %add3A_29 : i32 to vector<16xi32>
    %add3A_31 = arith.addi %add3A_30, %iota3A : vector<16xi32>
    tpu.vector_store_idx %arg6[%add3A_31], %broadcast_in_dim3A_1 : memref<512xi32, #tpu.memory_space<vmem>>[vector<16xi32>], vector<16xi32>,
    %add3A_32 = arith.constant 160 : i32
    %add3A_33 = vector.broadcast %add3A_32 : i32 to vector<16xi32>
    %add3A_34 = arith.addi %add3A_33, %iota3A : vector<16xi32>
    tpu.vector_store_idx %arg6[%add3A_34], %broadcast_in_dim3A_1 : memref<512xi32, #tpu.memory_space<vmem>>[vector<16xi32>], vector<16xi32>,
    %add3A_35 = arith.constant 176 : i32
    %add3A_36 = vector.broadcast %add3A_35 : i32 to vector<16xi32>
    %add3A_37 = arith.addi %add3A_36, %iota3A : vector<16xi32>
    tpu.vector_store_idx %arg6[%add3A_37], %broadcast_in_dim3A_1 : memref<512xi32, #tpu.memory_space<vmem>>[vector<16xi32>], vector<16xi32>,
    %add3A_38 = arith.constant 192 : i32
    %add3A_39 = vector.broadcast %add3A_38 : i32 to vector<16xi32>
    %add3A_40 = arith.addi %add3A_39, %iota3A : vector<16xi32>
    tpu.vector_store_idx %arg6[%add3A_40], %broadcast_in_dim3A_1 : memref<512xi32, #tpu.memory_space<vmem>>[vector<16xi32>], vector<16xi32>,
    %add3A_41 = arith.constant 208 : i32
    %add3A_42 = vector.broadcast %add3A_41 : i32 to vector<16xi32>
    %add3A_43 = arith.addi %add3A_42, %iota3A : vector<16xi32>
    tpu.vector_store_idx %arg6[%add3A_43], %broadcast_in_dim3A_1 : memref<512xi32, #tpu.memory_space<vmem>>[vector<16xi32>], vector<16xi32>,
    %add3A_44 = arith.constant 224 : i32
    %add3A_45 = vector.broadcast %add3A_44 : i32 to vector<16xi32>
    %add3A_46 = arith.addi %add3A_45, %iota3A : vector<16xi32>
    tpu.vector_store_idx %arg6[%add3A_46], %broadcast_in_dim3A_1 : memref<512xi32, #tpu.memory_space<vmem>>[vector<16xi32>], vector<16xi32>,
    %add3A_47 = arith.constant 240 : i32
    %add3A_48 = vector.broadcast %add3A_47 : i32 to vector<16xi32>
    %add3A_49 = arith.addi %add3A_48, %iota3A : vector<16xi32>
    tpu.vector_store_idx %arg6[%add3A_49], %broadcast_in_dim3A_1 : memref<512xi32, #tpu.memory_space<vmem>>[vector<16xi32>], vector<16xi32>,
    %add3A_50 = arith.constant 256 : i32
    %add3A_51 = vector.broadcast %add3A_50 : i32 to vector<16xi32>
    %add3A_52 = arith.addi %add3A_51, %iota3A : vector<16xi32>
    tpu.vector_store_idx %arg6[%add3A_52], %broadcast_in_dim3A_1 : memref<512xi32, #tpu.memory_space<vmem>>[vector<16xi32>], vector<16xi32>,
    %add3A_53 = arith.constant 272 : i32
    %add3A_54 = vector.broadcast %add3A_53 : i32 to vector<16xi32>
    %add3A_55 = arith.addi %add3A_54, %iota3A : vector<16xi32>
    tpu.vector_store_idx %arg6[%add3A_55], %broadcast_in_dim3A_1 : memref<512xi32, #tpu.memory_space<vmem>>[vector<16xi32>], vector<16xi32>,
    %add3A_56 = arith.constant 288 : i32
    %add3A_57 = vector.broadcast %add3A_56 : i32 to vector<16xi32>
    %add3A_58 = arith.addi %add3A_57, %iota3A : vector<16xi32>
    tpu.vector_store_idx %arg6[%add3A_58], %broadcast_in_dim3A_1 : memref<512xi32, #tpu.memory_space<vmem>>[vector<16xi32>], vector<16xi32>,
    %add3A_59 = arith.constant 304 : i32
    %add3A_60 = vector.broadcast %add3A_59 : i32 to vector<16xi32>
    %add3A_61 = arith.addi %add3A_60, %iota3A : vector<16xi32>
    tpu.vector_store_idx %arg6[%add3A_61], %broadcast_in_dim3A_1 : memref<512xi32, #tpu.memory_space<vmem>>[vector<16xi32>], vector<16xi32>,
    %add3A_62 = arith.constant 320 : i32
    %add3A_63 = vector.broadcast %add3A_62 : i32 to vector<16xi32>
    %add3A_64 = arith.addi %add3A_63, %iota3A : vector<16xi32>
    tpu.vector_store_idx %arg6[%add3A_64], %broadcast_in_dim3A_1 : memref<512xi32, #tpu.memory_space<vmem>>[vector<16xi32>], vector<16xi32>,
    %add3A_65 = arith.constant 336 : i32
    %add3A_66 = vector.broadcast %add3A_65 : i32 to vector<16xi32>
    %add3A_67 = arith.addi %add3A_66, %iota3A : vector<16xi32>
    tpu.vector_store_idx %arg6[%add3A_67], %broadcast_in_dim3A_1 : memref<512xi32, #tpu.memory_space<vmem>>[vector<16xi32>], vector<16xi32>,
    %add3A_68 = arith.constant 352 : i32
    %add3A_69 = vector.broadcast %add3A_68 : i32 to vector<16xi32>
    %add3A_70 = arith.addi %add3A_69, %iota3A : vector<16xi32>
    tpu.vector_store_idx %arg6[%add3A_70], %broadcast_in_dim3A_1 : memref<512xi32, #tpu.memory_space<vmem>>[vector<16xi32>], vector<16xi32>,
    %add3A_71 = arith.constant 368 : i32
    %add3A_72 = vector.broadcast %add3A_71 : i32 to vector<16xi32>
    %add3A_73 = arith.addi %add3A_72, %iota3A : vector<16xi32>
    tpu.vector_store_idx %arg6[%add3A_73], %broadcast_in_dim3A_1 : memref<512xi32, #tpu.memory_space<vmem>>[vector<16xi32>], vector<16xi32>,
    %add3A_74 = arith.constant 384 : i32
    %add3A_75 = vector.broadcast %add3A_74 : i32 to vector<16xi32>
    %add3A_76 = arith.addi %add3A_75, %iota3A : vector<16xi32>
    tpu.vector_store_idx %arg6[%add3A_76], %broadcast_in_dim3A_1 : memref<512xi32, #tpu.memory_space<vmem>>[vector<16xi32>], vector<16xi32>,
    %add3A_77 = arith.constant 400 : i32
    %add3A_78 = vector.broadcast %add3A_77 : i32 to vector<16xi32>
    %add3A_79 = arith.addi %add3A_78, %iota3A : vector<16xi32>
    tpu.vector_store_idx %arg6[%add3A_79], %broadcast_in_dim3A_1 : memref<512xi32, #tpu.memory_space<vmem>>[vector<16xi32>], vector<16xi32>,
    %add3A_80 = arith.constant 416 : i32
    %add3A_81 = vector.broadcast %add3A_80 : i32 to vector<16xi32>
    %add3A_82 = arith.addi %add3A_81, %iota3A : vector<16xi32>
    tpu.vector_store_idx %arg6[%add3A_82], %broadcast_in_dim3A_1 : memref<512xi32, #tpu.memory_space<vmem>>[vector<16xi32>], vector<16xi32>,
    %add3A_83 = arith.constant 432 : i32
    %add3A_84 = vector.broadcast %add3A_83 : i32 to vector<16xi32>
    %add3A_85 = arith.addi %add3A_84, %iota3A : vector<16xi32>
    tpu.vector_store_idx %arg6[%add3A_85], %broadcast_in_dim3A_1 : memref<512xi32, #tpu.memory_space<vmem>>[vector<16xi32>], vector<16xi32>,
    %add3A_86 = arith.constant 448 : i32
    %add3A_87 = vector.broadcast %add3A_86 : i32 to vector<16xi32>
    %add3A_88 = arith.addi %add3A_87, %iota3A : vector<16xi32>
    tpu.vector_store_idx %arg6[%add3A_88], %broadcast_in_dim3A_1 : memref<512xi32, #tpu.memory_space<vmem>>[vector<16xi32>], vector<16xi32>,
    %add3A_89 = arith.constant 464 : i32
    %add3A_90 = vector.broadcast %add3A_89 : i32 to vector<16xi32>
    %add3A_91 = arith.addi %add3A_90, %iota3A : vector<16xi32>
    tpu.vector_store_idx %arg6[%add3A_91], %broadcast_in_dim3A_1 : memref<512xi32, #tpu.memory_space<vmem>>[vector<16xi32>], vector<16xi32>,
    %add3A_92 = arith.constant 480 : i32
    %add3A_93 = vector.broadcast %add3A_92 : i32 to vector<16xi32>
    %add3A_94 = arith.addi %add3A_93, %iota3A : vector<16xi32>
    tpu.vector_store_idx %arg6[%add3A_94], %broadcast_in_dim3A_1 : memref<512xi32, #tpu.memory_space<vmem>>[vector<16xi32>], vector<16xi32>,
    %add3A_95 = arith.constant 496 : i32
    %add3A_96 = vector.broadcast %add3A_95 : i32 to vector<16xi32>
    %add3A_97 = arith.addi %add3A_96, %iota3A : vector<16xi32>
    tpu.vector_store_idx %arg6[%add3A_97], %broadcast_in_dim3A_1 : memref<512xi32, #tpu.memory_space<vmem>>[vector<16xi32>], vector<16xi32>,
    %scan3A = arith.constant 0 : i32
    %scan3A_98 = arith.constant 0 : i32
    %scan3A_99 = arith.constant 79 : i32
    %scan3A_100 = arith.addi %scan3A_98, %scan3A_99 : i32
    %scan3A_101 = arith.constant 1 : i32
    scf.for %scan3A_683 = %scan3A_98 to %scan3A_100 step %scan3A_101  : i32 {
      %get3A = arith.constant 0 : i32
      %get3A_684 = arith.index_cast %scan3A_683 : i32 to index
      %get3A_685 = arith.index_cast %get3A : i32 to index
      %get3A_686 = arith.constant 0 : index
      %get3A_687 = tpu.vector_load %arg4[%get3A_684, %get3A_685, %get3A_686] {strides = array<i32>} : memref<79x2x128xi32, #tpu.memory_space<vmem>>, vector<16xi32>,
      %mul3A_688 = arith.constant 107203 : i32
      %mul3A_689 = vector.broadcast %mul3A_688 : i32 to vector<16xi32>
      %mul3A_690 = arith.muli %get3A_687, %mul3A_689 : vector<16xi32>
      %shift_right_logical3A = arith.constant 25 : i32
      %shift_right_logical3A_691 = vector.broadcast %shift_right_logical3A : i32 to vector<16xi32>
      %shift_right_logical3A_692 = arith.shrui %mul3A_690, %shift_right_logical3A_691 : vector<16xi32>
      %mul3A_693 = arith.constant 16 : i32
      %mul3A_694 = vector.broadcast %mul3A_693 : i32 to vector<16xi32>
      %mul3A_695 = arith.muli %shift_right_logical3A_692, %mul3A_694 : vector<16xi32>
      %add3A_696 = arith.addi %mul3A_695, %iota3A : vector<16xi32>
      %gather3A_697 = tpu.vector_load_idx %arg6[%add3A_696] : memref<512xi32, #tpu.memory_space<vmem>>[vector<16xi32>], vector<16xi32>,
      %add3A_698 = arith.constant 1 : i32
      %add3A_699 = vector.broadcast %add3A_698 : i32 to vector<16xi32>
      %add3A_700 = arith.addi %gather3A_697, %add3A_699 : vector<16xi32>
      tpu.vector_store_idx %arg6[%add3A_696], %add3A_700 : memref<512xi32, #tpu.memory_space<vmem>>[vector<16xi32>], vector<16xi32>,
      %get3A_701 = arith.constant 0 : i32
      %get3A_702 = arith.index_cast %scan3A_683 : i32 to index
      %get3A_703 = arith.index_cast %get3A_701 : i32 to index
      %get3A_704 = arith.constant 16 : index
      %get3A_705 = tpu.vector_load %arg4[%get3A_702, %get3A_703, %get3A_704] {strides = array<i32>} : memref<79x2x128xi32, #tpu.memory_space<vmem>>, vector<16xi32>,
      %mul3A_706 = arith.constant 107203 : i32
      %mul3A_707 = vector.broadcast %mul3A_706 : i32 to vector<16xi32>
      %mul3A_708 = arith.muli %get3A_705, %mul3A_707 : vector<16xi32>
      %shift_right_logical3A_709 = arith.constant 25 : i32
      %shift_right_logical3A_710 = vector.broadcast %shift_right_logical3A_709 : i32 to vector<16xi32>
      %shift_right_logical3A_711 = arith.shrui %mul3A_708, %shift_right_logical3A_710 : vector<16xi32>
      %mul3A_712 = arith.constant 16 : i32
      %mul3A_713 = vector.broadcast %mul3A_712 : i32 to vector<16xi32>
      %mul3A_714 = arith.muli %shift_right_logical3A_711, %mul3A_713 : vector<16xi32>
      %add3A_715 = arith.addi %mul3A_714, %iota3A : vector<16xi32>
      %gather3A_716 = tpu.vector_load_idx %arg6[%add3A_715] : memref<512xi32, #tpu.memory_space<vmem>>[vector<16xi32>], vector<16xi32>,
      %add3A_717 = arith.constant 1 : i32
      %add3A_718 = vector.broadcast %add3A_717 : i32 to vector<16xi32>
      %add3A_719 = arith.addi %gather3A_716, %add3A_718 : vector<16xi32>
      tpu.vector_store_idx %arg6[%add3A_715], %add3A_719 : memref<512xi32, #tpu.memory_space<vmem>>[vector<16xi32>], vector<16xi32>,
      %get3A_720 = arith.constant 0 : i32
      %get3A_721 = arith.index_cast %scan3A_683 : i32 to index
      %get3A_722 = arith.index_cast %get3A_720 : i32 to index
      %get3A_723 = arith.constant 32 : index
      %get3A_724 = tpu.vector_load %arg4[%get3A_721, %get3A_722, %get3A_723] {strides = array<i32>} : memref<79x2x128xi32, #tpu.memory_space<vmem>>, vector<16xi32>,
      %mul3A_725 = arith.constant 107203 : i32
      %mul3A_726 = vector.broadcast %mul3A_725 : i32 to vector<16xi32>
      %mul3A_727 = arith.muli %get3A_724, %mul3A_726 : vector<16xi32>
      %shift_right_logical3A_728 = arith.constant 25 : i32
      %shift_right_logical3A_729 = vector.broadcast %shift_right_logical3A_728 : i32 to vector<16xi32>
      %shift_right_logical3A_730 = arith.shrui %mul3A_727, %shift_right_logical3A_729 : vector<16xi32>
      %mul3A_731 = arith.constant 16 : i32
      %mul3A_732 = vector.broadcast %mul3A_731 : i32 to vector<16xi32>
      %mul3A_733 = arith.muli %shift_right_logical3A_730, %mul3A_732 : vector<16xi32>
      %add3A_734 = arith.addi %mul3A_733, %iota3A : vector<16xi32>
      %gather3A_735 = tpu.vector_load_idx %arg6[%add3A_734] : memref<512xi32, #tpu.memory_space<vmem>>[vector<16xi32>], vector<16xi32>,
      %add3A_736 = arith.constant 1 : i32
      %add3A_737 = vector.broadcast %add3A_736 : i32 to vector<16xi32>
      %add3A_738 = arith.addi %gather3A_735, %add3A_737 : vector<16xi32>
      tpu.vector_store_idx %arg6[%add3A_734], %add3A_738 : memref<512xi32, #tpu.memory_space<vmem>>[vector<16xi32>], vector<16xi32>,
      %get3A_739 = arith.constant 0 : i32
      %get3A_740 = arith.index_cast %scan3A_683 : i32 to index
      %get3A_741 = arith.index_cast %get3A_739 : i32 to index
      %get3A_742 = arith.constant 48 : index
      %get3A_743 = tpu.vector_load %arg4[%get3A_740, %get3A_741, %get3A_742] {strides = array<i32>} : memref<79x2x128xi32, #tpu.memory_space<vmem>>, vector<16xi32>,
      %mul3A_744 = arith.constant 107203 : i32
      %mul3A_745 = vector.broadcast %mul3A_744 : i32 to vector<16xi32>
      %mul3A_746 = arith.muli %get3A_743, %mul3A_745 : vector<16xi32>
      %shift_right_logical3A_747 = arith.constant 25 : i32
      %shift_right_logical3A_748 = vector.broadcast %shift_right_logical3A_747 : i32 to vector<16xi32>
      %shift_right_logical3A_749 = arith.shrui %mul3A_746, %shift_right_logical3A_748 : vector<16xi32>
      %mul3A_750 = arith.constant 16 : i32
      %mul3A_751 = vector.broadcast %mul3A_750 : i32 to vector<16xi32>
      %mul3A_752 = arith.muli %shift_right_logical3A_749, %mul3A_751 : vector<16xi32>
      %add3A_753 = arith.addi %mul3A_752, %iota3A : vector<16xi32>
      %gather3A_754 = tpu.vector_load_idx %arg6[%add3A_753] : memref<512xi32, #tpu.memory_space<vmem>>[vector<16xi32>], vector<16xi32>,
      %add3A_755 = arith.constant 1 : i32
      %add3A_756 = vector.broadcast %add3A_755 : i32 to vector<16xi32>
      %add3A_757 = arith.addi %gather3A_754, %add3A_756 : vector<16xi32>
      tpu.vector_store_idx %arg6[%add3A_753], %add3A_757 : memref<512xi32, #tpu.memory_space<vmem>>[vector<16xi32>], vector<16xi32>,
      %get3A_758 = arith.constant 0 : i32
      %get3A_759 = arith.index_cast %scan3A_683 : i32 to index
      %get3A_760 = arith.index_cast %get3A_758 : i32 to index
      %get3A_761 = arith.constant 64 : index
      %get3A_762 = tpu.vector_load %arg4[%get3A_759, %get3A_760, %get3A_761] {strides = array<i32>} : memref<79x2x128xi32, #tpu.memory_space<vmem>>, vector<16xi32>,
      %mul3A_763 = arith.constant 107203 : i32
      %mul3A_764 = vector.broadcast %mul3A_763 : i32 to vector<16xi32>
      %mul3A_765 = arith.muli %get3A_762, %mul3A_764 : vector<16xi32>
      %shift_right_logical3A_766 = arith.constant 25 : i32
      %shift_right_logical3A_767 = vector.broadcast %shift_right_logical3A_766 : i32 to vector<16xi32>
      %shift_right_logical3A_768 = arith.shrui %mul3A_765, %shift_right_logical3A_767 : vector<16xi32>
      %mul3A_769 = arith.constant 16 : i32
      %mul3A_770 = vector.broadcast %mul3A_769 : i32 to vector<16xi32>
      %mul3A_771 = arith.muli %shift_right_logical3A_768, %mul3A_770 : vector<16xi32>
      %add3A_772 = arith.addi %mul3A_771, %iota3A : vector<16xi32>
      %gather3A_773 = tpu.vector_load_idx %arg6[%add3A_772] : memref<512xi32, #tpu.memory_space<vmem>>[vector<16xi32>], vector<16xi32>,
      %add3A_774 = arith.constant 1 : i32
      %add3A_775 = vector.broadcast %add3A_774 : i32 to vector<16xi32>
      %add3A_776 = arith.addi %gather3A_773, %add3A_775 : vector<16xi32>
      tpu.vector_store_idx %arg6[%add3A_772], %add3A_776 : memref<512xi32, #tpu.memory_space<vmem>>[vector<16xi32>], vector<16xi32>,
      %get3A_777 = arith.constant 0 : i32
      %get3A_778 = arith.index_cast %scan3A_683 : i32 to index
      %get3A_779 = arith.index_cast %get3A_777 : i32 to index
      %get3A_780 = arith.constant 80 : index
      %get3A_781 = tpu.vector_load %arg4[%get3A_778, %get3A_779, %get3A_780] {strides = array<i32>} : memref<79x2x128xi32, #tpu.memory_space<vmem>>, vector<16xi32>,
      %mul3A_782 = arith.constant 107203 : i32
      %mul3A_783 = vector.broadcast %mul3A_782 : i32 to vector<16xi32>
      %mul3A_784 = arith.muli %get3A_781, %mul3A_783 : vector<16xi32>
      %shift_right_logical3A_785 = arith.constant 25 : i32
      %shift_right_logical3A_786 = vector.broadcast %shift_right_logical3A_785 : i32 to vector<16xi32>
      %shift_right_logical3A_787 = arith.shrui %mul3A_784, %shift_right_logical3A_786 : vector<16xi32>
      %mul3A_788 = arith.constant 16 : i32
      %mul3A_789 = vector.broadcast %mul3A_788 : i32 to vector<16xi32>
      %mul3A_790 = arith.muli %shift_right_logical3A_787, %mul3A_789 : vector<16xi32>
      %add3A_791 = arith.addi %mul3A_790, %iota3A : vector<16xi32>
      %gather3A_792 = tpu.vector_load_idx %arg6[%add3A_791] : memref<512xi32, #tpu.memory_space<vmem>>[vector<16xi32>], vector<16xi32>,
      %add3A_793 = arith.constant 1 : i32
      %add3A_794 = vector.broadcast %add3A_793 : i32 to vector<16xi32>
      %add3A_795 = arith.addi %gather3A_792, %add3A_794 : vector<16xi32>
      tpu.vector_store_idx %arg6[%add3A_791], %add3A_795 : memref<512xi32, #tpu.memory_space<vmem>>[vector<16xi32>], vector<16xi32>,
      %get3A_796 = arith.constant 0 : i32
      %get3A_797 = arith.index_cast %scan3A_683 : i32 to index
      %get3A_798 = arith.index_cast %get3A_796 : i32 to index
      %get3A_799 = arith.constant 96 : index
      %get3A_800 = tpu.vector_load %arg4[%get3A_797, %get3A_798, %get3A_799] {strides = array<i32>} : memref<79x2x128xi32, #tpu.memory_space<vmem>>, vector<16xi32>,
      %mul3A_801 = arith.constant 107203 : i32
      %mul3A_802 = vector.broadcast %mul3A_801 : i32 to vector<16xi32>
      %mul3A_803 = arith.muli %get3A_800, %mul3A_802 : vector<16xi32>
      %shift_right_logical3A_804 = arith.constant 25 : i32
      %shift_right_logical3A_805 = vector.broadcast %shift_right_logical3A_804 : i32 to vector<16xi32>
      %shift_right_logical3A_806 = arith.shrui %mul3A_803, %shift_right_logical3A_805 : vector<16xi32>
      %mul3A_807 = arith.constant 16 : i32
      %mul3A_808 = vector.broadcast %mul3A_807 : i32 to vector<16xi32>
      %mul3A_809 = arith.muli %shift_right_logical3A_806, %mul3A_808 : vector<16xi32>
      %add3A_810 = arith.addi %mul3A_809, %iota3A : vector<16xi32>
      %gather3A_811 = tpu.vector_load_idx %arg6[%add3A_810] : memref<512xi32, #tpu.memory_space<vmem>>[vector<16xi32>], vector<16xi32>,
      %add3A_812 = arith.constant 1 : i32
      %add3A_813 = vector.broadcast %add3A_812 : i32 to vector<16xi32>
      %add3A_814 = arith.addi %gather3A_811, %add3A_813 : vector<16xi32>
      tpu.vector_store_idx %arg6[%add3A_810], %add3A_814 : memref<512xi32, #tpu.memory_space<vmem>>[vector<16xi32>], vector<16xi32>,
      %get3A_815 = arith.constant 0 : i32
      %get3A_816 = arith.index_cast %scan3A_683 : i32 to index
      %get3A_817 = arith.index_cast %get3A_815 : i32 to index
      %get3A_818 = arith.constant 112 : index
      %get3A_819 = tpu.vector_load %arg4[%get3A_816, %get3A_817, %get3A_818] {strides = array<i32>} : memref<79x2x128xi32, #tpu.memory_space<vmem>>, vector<16xi32>,
      %mul3A_820 = arith.constant 107203 : i32
      %mul3A_821 = vector.broadcast %mul3A_820 : i32 to vector<16xi32>
      %mul3A_822 = arith.muli %get3A_819, %mul3A_821 : vector<16xi32>
      %shift_right_logical3A_823 = arith.constant 25 : i32
      %shift_right_logical3A_824 = vector.broadcast %shift_right_logical3A_823 : i32 to vector<16xi32>
      %shift_right_logical3A_825 = arith.shrui %mul3A_822, %shift_right_logical3A_824 : vector<16xi32>
      %mul3A_826 = arith.constant 16 : i32
      %mul3A_827 = vector.broadcast %mul3A_826 : i32 to vector<16xi32>
      %mul3A_828 = arith.muli %shift_right_logical3A_825, %mul3A_827 : vector<16xi32>
      %add3A_829 = arith.addi %mul3A_828, %iota3A : vector<16xi32>
      %gather3A_830 = tpu.vector_load_idx %arg6[%add3A_829] : memref<512xi32, #tpu.memory_space<vmem>>[vector<16xi32>], vector<16xi32>,
      %add3A_831 = arith.constant 1 : i32
      %add3A_832 = vector.broadcast %add3A_831 : i32 to vector<16xi32>
      %add3A_833 = arith.addi %gather3A_830, %add3A_832 : vector<16xi32>
      tpu.vector_store_idx %arg6[%add3A_829], %add3A_833 : memref<512xi32, #tpu.memory_space<vmem>>[vector<16xi32>], vector<16xi32>,
    }
    %scan3A_102 = arith.constant 79 : i32
    %add3A_103 = arith.constant 0 : i32
    %add3A_104 = vector.broadcast %add3A_103 : i32 to vector<16xi32>
    %add3A_105 = arith.addi %add3A_104, %iota3A : vector<16xi32>
    %gather3A = tpu.vector_load_idx %arg6[%add3A_105] : memref<512xi32, #tpu.memory_space<vmem>>[vector<16xi32>], vector<16xi32>,
    %broadcast_in_dim3A_106 = arith.constant true
    %broadcast_in_dim3A_107 = vector.broadcast %broadcast_in_dim3A_106 : i1 to vector<16xi1>
    %masked_cumsum3A = tpu.scan <sum>, %gather3A masked %broadcast_in_dim3A_107 : vector<16xi32>, vector<16xi1> -> vector<16xi32>
    %add3A_108 = arith.constant 0 : i32
    %add3A_109 = vector.broadcast %add3A_108 : i32 to vector<16xi32>
    %add3A_110 = arith.addi %add3A_109, %iota3A : vector<16xi32>
    %sub3A = arith.subi %masked_cumsum3A, %gather3A : vector<16xi32>
    %add3A_111 = arith.constant 0 : i32
    %add3A_112 = vector.broadcast %add3A_111 : i32 to vector<16xi32>
    %add3A_113 = arith.addi %sub3A, %add3A_112 : vector<16xi32>
    tpu.vector_store_idx %arg7[%add3A_110], %add3A_113 : memref<512xi32, #tpu.memory_space<vmem>>[vector<16xi32>], vector<16xi32>,
    %reduce_sum3A = arith.constant true
    %reduce_sum3A_114 = vector.broadcast %reduce_sum3A : i1 to vector<16xi1>
    %reduce_sum3A_115 = tpu.scan <sum>, %gather3A masked %reduce_sum3A_114 : vector<16xi32>, vector<16xi1> -> vector<16xi32>
    %reduce_sum3A_116 = vector.extract %reduce_sum3A_115[15] : i32 from vector<16xi32>
    %add3A_117 = arith.constant 0 : i32
    %add3A_118 = arith.addi %add3A_117, %reduce_sum3A_116 : i32
    %add3A_119 = arith.constant 16 : i32
    %add3A_120 = vector.broadcast %add3A_119 : i32 to vector<16xi32>
    %add3A_121 = arith.addi %add3A_120, %iota3A : vector<16xi32>
    %gather3A_122 = tpu.vector_load_idx %arg6[%add3A_121] : memref<512xi32, #tpu.memory_space<vmem>>[vector<16xi32>], vector<16xi32>,
    %broadcast_in_dim3A_123 = arith.constant true
    %broadcast_in_dim3A_124 = vector.broadcast %broadcast_in_dim3A_123 : i1 to vector<16xi1>
    %masked_cumsum3A_125 = tpu.scan <sum>, %gather3A_122 masked %broadcast_in_dim3A_124 : vector<16xi32>, vector<16xi1> -> vector<16xi32>
    %add3A_126 = arith.constant 16 : i32
    %add3A_127 = vector.broadcast %add3A_126 : i32 to vector<16xi32>
    %add3A_128 = arith.addi %add3A_127, %iota3A : vector<16xi32>
    %sub3A_129 = arith.subi %masked_cumsum3A_125, %gather3A_122 : vector<16xi32>
    %add3A_130 = vector.broadcast %add3A_118 : i32 to vector<16xi32>
    %add3A_131 = arith.addi %sub3A_129, %add3A_130 : vector<16xi32>
    tpu.vector_store_idx %arg7[%add3A_128], %add3A_131 : memref<512xi32, #tpu.memory_space<vmem>>[vector<16xi32>], vector<16xi32>,
    %reduce_sum3A_132 = arith.constant true
    %reduce_sum3A_133 = vector.broadcast %reduce_sum3A_132 : i1 to vector<16xi1>
    %reduce_sum3A_134 = tpu.scan <sum>, %gather3A_122 masked %reduce_sum3A_133 : vector<16xi32>, vector<16xi1> -> vector<16xi32>
    %reduce_sum3A_135 = vector.extract %reduce_sum3A_134[15] : i32 from vector<16xi32>
    %add3A_136 = arith.addi %add3A_118, %reduce_sum3A_135 : i32
    %add3A_137 = arith.constant 32 : i32
    %add3A_138 = vector.broadcast %add3A_137 : i32 to vector<16xi32>
    %add3A_139 = arith.addi %add3A_138, %iota3A : vector<16xi32>
    %gather3A_140 = tpu.vector_load_idx %arg6[%add3A_139] : memref<512xi32, #tpu.memory_space<vmem>>[vector<16xi32>], vector<16xi32>,
    %broadcast_in_dim3A_141 = arith.constant true
    %broadcast_in_dim3A_142 = vector.broadcast %broadcast_in_dim3A_141 : i1 to vector<16xi1>
    %masked_cumsum3A_143 = tpu.scan <sum>, %gather3A_140 masked %broadcast_in_dim3A_142 : vector<16xi32>, vector<16xi1> -> vector<16xi32>
    %add3A_144 = arith.constant 32 : i32
    %add3A_145 = vector.broadcast %add3A_144 : i32 to vector<16xi32>
    %add3A_146 = arith.addi %add3A_145, %iota3A : vector<16xi32>
    %sub3A_147 = arith.subi %masked_cumsum3A_143, %gather3A_140 : vector<16xi32>
    %add3A_148 = vector.broadcast %add3A_136 : i32 to vector<16xi32>
    %add3A_149 = arith.addi %sub3A_147, %add3A_148 : vector<16xi32>
    tpu.vector_store_idx %arg7[%add3A_146], %add3A_149 : memref<512xi32, #tpu.memory_space<vmem>>[vector<16xi32>], vector<16xi32>,
    %reduce_sum3A_150 = arith.constant true
    %reduce_sum3A_151 = vector.broadcast %reduce_sum3A_150 : i1 to vector<16xi1>
    %reduce_sum3A_152 = tpu.scan <sum>, %gather3A_140 masked %reduce_sum3A_151 : vector<16xi32>, vector<16xi1> -> vector<16xi32>
    %reduce_sum3A_153 = vector.extract %reduce_sum3A_152[15] : i32 from vector<16xi32>
    %add3A_154 = arith.addi %add3A_136, %reduce_sum3A_153 : i32
    %add3A_155 = arith.constant 48 : i32
    %add3A_156 = vector.broadcast %add3A_155 : i32 to vector<16xi32>
    %add3A_157 = arith.addi %add3A_156, %iota3A : vector<16xi32>
    %gather3A_158 = tpu.vector_load_idx %arg6[%add3A_157] : memref<512xi32, #tpu.memory_space<vmem>>[vector<16xi32>], vector<16xi32>,
    %broadcast_in_dim3A_159 = arith.constant true
    %broadcast_in_dim3A_160 = vector.broadcast %broadcast_in_dim3A_159 : i1 to vector<16xi1>
    %masked_cumsum3A_161 = tpu.scan <sum>, %gather3A_158 masked %broadcast_in_dim3A_160 : vector<16xi32>, vector<16xi1> -> vector<16xi32>
    %add3A_162 = arith.constant 48 : i32
    %add3A_163 = vector.broadcast %add3A_162 : i32 to vector<16xi32>
    %add3A_164 = arith.addi %add3A_163, %iota3A : vector<16xi32>
    %sub3A_165 = arith.subi %masked_cumsum3A_161, %gather3A_158 : vector<16xi32>
    %add3A_166 = vector.broadcast %add3A_154 : i32 to vector<16xi32>
    %add3A_167 = arith.addi %sub3A_165, %add3A_166 : vector<16xi32>
    tpu.vector_store_idx %arg7[%add3A_164], %add3A_167 : memref<512xi32, #tpu.memory_space<vmem>>[vector<16xi32>], vector<16xi32>,
    %reduce_sum3A_168 = arith.constant true
    %reduce_sum3A_169 = vector.broadcast %reduce_sum3A_168 : i1 to vector<16xi1>
    %reduce_sum3A_170 = tpu.scan <sum>, %gather3A_158 masked %reduce_sum3A_169 : vector<16xi32>, vector<16xi1> -> vector<16xi32>
    %reduce_sum3A_171 = vector.extract %reduce_sum3A_170[15] : i32 from vector<16xi32>
    %add3A_172 = arith.addi %add3A_154, %reduce_sum3A_171 : i32
    %add3A_173 = arith.constant 64 : i32
    %add3A_174 = vector.broadcast %add3A_173 : i32 to vector<16xi32>
    %add3A_175 = arith.addi %add3A_174, %iota3A : vector<16xi32>
    %gather3A_176 = tpu.vector_load_idx %arg6[%add3A_175] : memref<512xi32, #tpu.memory_space<vmem>>[vector<16xi32>], vector<16xi32>,
    %broadcast_in_dim3A_177 = arith.constant true
    %broadcast_in_dim3A_178 = vector.broadcast %broadcast_in_dim3A_177 : i1 to vector<16xi1>
    %masked_cumsum3A_179 = tpu.scan <sum>, %gather3A_176 masked %broadcast_in_dim3A_178 : vector<16xi32>, vector<16xi1> -> vector<16xi32>
    %add3A_180 = arith.constant 64 : i32
    %add3A_181 = vector.broadcast %add3A_180 : i32 to vector<16xi32>
    %add3A_182 = arith.addi %add3A_181, %iota3A : vector<16xi32>
    %sub3A_183 = arith.subi %masked_cumsum3A_179, %gather3A_176 : vector<16xi32>
    %add3A_184 = vector.broadcast %add3A_172 : i32 to vector<16xi32>
    %add3A_185 = arith.addi %sub3A_183, %add3A_184 : vector<16xi32>
    tpu.vector_store_idx %arg7[%add3A_182], %add3A_185 : memref<512xi32, #tpu.memory_space<vmem>>[vector<16xi32>], vector<16xi32>,
    %reduce_sum3A_186 = arith.constant true
    %reduce_sum3A_187 = vector.broadcast %reduce_sum3A_186 : i1 to vector<16xi1>
    %reduce_sum3A_188 = tpu.scan <sum>, %gather3A_176 masked %reduce_sum3A_187 : vector<16xi32>, vector<16xi1> -> vector<16xi32>
    %reduce_sum3A_189 = vector.extract %reduce_sum3A_188[15] : i32 from vector<16xi32>
    %add3A_190 = arith.addi %add3A_172, %reduce_sum3A_189 : i32
    %add3A_191 = arith.constant 80 : i32
    %add3A_192 = vector.broadcast %add3A_191 : i32 to vector<16xi32>
    %add3A_193 = arith.addi %add3A_192, %iota3A : vector<16xi32>
    %gather3A_194 = tpu.vector_load_idx %arg6[%add3A_193] : memref<512xi32, #tpu.memory_space<vmem>>[vector<16xi32>], vector<16xi32>,
    %broadcast_in_dim3A_195 = arith.constant true
    %broadcast_in_dim3A_196 = vector.broadcast %broadcast_in_dim3A_195 : i1 to vector<16xi1>
    %masked_cumsum3A_197 = tpu.scan <sum>, %gather3A_194 masked %broadcast_in_dim3A_196 : vector<16xi32>, vector<16xi1> -> vector<16xi32>
    %add3A_198 = arith.constant 80 : i32
    %add3A_199 = vector.broadcast %add3A_198 : i32 to vector<16xi32>
    %add3A_200 = arith.addi %add3A_199, %iota3A : vector<16xi32>
    %sub3A_201 = arith.subi %masked_cumsum3A_197, %gather3A_194 : vector<16xi32>
    %add3A_202 = vector.broadcast %add3A_190 : i32 to vector<16xi32>
    %add3A_203 = arith.addi %sub3A_201, %add3A_202 : vector<16xi32>
    tpu.vector_store_idx %arg7[%add3A_200], %add3A_203 : memref<512xi32, #tpu.memory_space<vmem>>[vector<16xi32>], vector<16xi32>,
    %reduce_sum3A_204 = arith.constant true
    %reduce_sum3A_205 = vector.broadcast %reduce_sum3A_204 : i1 to vector<16xi1>
    %reduce_sum3A_206 = tpu.scan <sum>, %gather3A_194 masked %reduce_sum3A_205 : vector<16xi32>, vector<16xi1> -> vector<16xi32>
    %reduce_sum3A_207 = vector.extract %reduce_sum3A_206[15] : i32 from vector<16xi32>
    %add3A_208 = arith.addi %add3A_190, %reduce_sum3A_207 : i32
    %add3A_209 = arith.constant 96 : i32
    %add3A_210 = vector.broadcast %add3A_209 : i32 to vector<16xi32>
    %add3A_211 = arith.addi %add3A_210, %iota3A : vector<16xi32>
    %gather3A_212 = tpu.vector_load_idx %arg6[%add3A_211] : memref<512xi32, #tpu.memory_space<vmem>>[vector<16xi32>], vector<16xi32>,
    %broadcast_in_dim3A_213 = arith.constant true
    %broadcast_in_dim3A_214 = vector.broadcast %broadcast_in_dim3A_213 : i1 to vector<16xi1>
    %masked_cumsum3A_215 = tpu.scan <sum>, %gather3A_212 masked %broadcast_in_dim3A_214 : vector<16xi32>, vector<16xi1> -> vector<16xi32>
    %add3A_216 = arith.constant 96 : i32
    %add3A_217 = vector.broadcast %add3A_216 : i32 to vector<16xi32>
    %add3A_218 = arith.addi %add3A_217, %iota3A : vector<16xi32>
    %sub3A_219 = arith.subi %masked_cumsum3A_215, %gather3A_212 : vector<16xi32>
    %add3A_220 = vector.broadcast %add3A_208 : i32 to vector<16xi32>
    %add3A_221 = arith.addi %sub3A_219, %add3A_220 : vector<16xi32>
    tpu.vector_store_idx %arg7[%add3A_218], %add3A_221 : memref<512xi32, #tpu.memory_space<vmem>>[vector<16xi32>], vector<16xi32>,
    %reduce_sum3A_222 = arith.constant true
    %reduce_sum3A_223 = vector.broadcast %reduce_sum3A_222 : i1 to vector<16xi1>
    %reduce_sum3A_224 = tpu.scan <sum>, %gather3A_212 masked %reduce_sum3A_223 : vector<16xi32>, vector<16xi1> -> vector<16xi32>
    %reduce_sum3A_225 = vector.extract %reduce_sum3A_224[15] : i32 from vector<16xi32>
    %add3A_226 = arith.addi %add3A_208, %reduce_sum3A_225 : i32
    %add3A_227 = arith.constant 112 : i32
    %add3A_228 = vector.broadcast %add3A_227 : i32 to vector<16xi32>
    %add3A_229 = arith.addi %add3A_228, %iota3A : vector<16xi32>
    %gather3A_230 = tpu.vector_load_idx %arg6[%add3A_229] : memref<512xi32, #tpu.memory_space<vmem>>[vector<16xi32>], vector<16xi32>,
    %broadcast_in_dim3A_231 = arith.constant true
    %broadcast_in_dim3A_232 = vector.broadcast %broadcast_in_dim3A_231 : i1 to vector<16xi1>
    %masked_cumsum3A_233 = tpu.scan <sum>, %gather3A_230 masked %broadcast_in_dim3A_232 : vector<16xi32>, vector<16xi1> -> vector<16xi32>
    %add3A_234 = arith.constant 112 : i32
    %add3A_235 = vector.broadcast %add3A_234 : i32 to vector<16xi32>
    %add3A_236 = arith.addi %add3A_235, %iota3A : vector<16xi32>
    %sub3A_237 = arith.subi %masked_cumsum3A_233, %gather3A_230 : vector<16xi32>
    %add3A_238 = vector.broadcast %add3A_226 : i32 to vector<16xi32>
    %add3A_239 = arith.addi %sub3A_237, %add3A_238 : vector<16xi32>
    tpu.vector_store_idx %arg7[%add3A_236], %add3A_239 : memref<512xi32, #tpu.memory_space<vmem>>[vector<16xi32>], vector<16xi32>,
    %reduce_sum3A_240 = arith.constant true
    %reduce_sum3A_241 = vector.broadcast %reduce_sum3A_240 : i1 to vector<16xi1>
    %reduce_sum3A_242 = tpu.scan <sum>, %gather3A_230 masked %reduce_sum3A_241 : vector<16xi32>, vector<16xi1> -> vector<16xi32>
    %reduce_sum3A_243 = vector.extract %reduce_sum3A_242[15] : i32 from vector<16xi32>
    %add3A_244 = arith.addi %add3A_226, %reduce_sum3A_243 : i32
    %add3A_245 = arith.constant 128 : i32
    %add3A_246 = vector.broadcast %add3A_245 : i32 to vector<16xi32>
    %add3A_247 = arith.addi %add3A_246, %iota3A : vector<16xi32>
    %gather3A_248 = tpu.vector_load_idx %arg6[%add3A_247] : memref<512xi32, #tpu.memory_space<vmem>>[vector<16xi32>], vector<16xi32>,
    %broadcast_in_dim3A_249 = arith.constant true
    %broadcast_in_dim3A_250 = vector.broadcast %broadcast_in_dim3A_249 : i1 to vector<16xi1>
    %masked_cumsum3A_251 = tpu.scan <sum>, %gather3A_248 masked %broadcast_in_dim3A_250 : vector<16xi32>, vector<16xi1> -> vector<16xi32>
    %add3A_252 = arith.constant 128 : i32
    %add3A_253 = vector.broadcast %add3A_252 : i32 to vector<16xi32>
    %add3A_254 = arith.addi %add3A_253, %iota3A : vector<16xi32>
    %sub3A_255 = arith.subi %masked_cumsum3A_251, %gather3A_248 : vector<16xi32>
    %add3A_256 = vector.broadcast %add3A_244 : i32 to vector<16xi32>
    %add3A_257 = arith.addi %sub3A_255, %add3A_256 : vector<16xi32>
    tpu.vector_store_idx %arg7[%add3A_254], %add3A_257 : memref<512xi32, #tpu.memory_space<vmem>>[vector<16xi32>], vector<16xi32>,
    %reduce_sum3A_258 = arith.constant true
    %reduce_sum3A_259 = vector.broadcast %reduce_sum3A_258 : i1 to vector<16xi1>
    %reduce_sum3A_260 = tpu.scan <sum>, %gather3A_248 masked %reduce_sum3A_259 : vector<16xi32>, vector<16xi1> -> vector<16xi32>
    %reduce_sum3A_261 = vector.extract %reduce_sum3A_260[15] : i32 from vector<16xi32>
    %add3A_262 = arith.addi %add3A_244, %reduce_sum3A_261 : i32
    %add3A_263 = arith.constant 144 : i32
    %add3A_264 = vector.broadcast %add3A_263 : i32 to vector<16xi32>
    %add3A_265 = arith.addi %add3A_264, %iota3A : vector<16xi32>
    %gather3A_266 = tpu.vector_load_idx %arg6[%add3A_265] : memref<512xi32, #tpu.memory_space<vmem>>[vector<16xi32>], vector<16xi32>,
    %broadcast_in_dim3A_267 = arith.constant true
    %broadcast_in_dim3A_268 = vector.broadcast %broadcast_in_dim3A_267 : i1 to vector<16xi1>
    %masked_cumsum3A_269 = tpu.scan <sum>, %gather3A_266 masked %broadcast_in_dim3A_268 : vector<16xi32>, vector<16xi1> -> vector<16xi32>
    %add3A_270 = arith.constant 144 : i32
    %add3A_271 = vector.broadcast %add3A_270 : i32 to vector<16xi32>
    %add3A_272 = arith.addi %add3A_271, %iota3A : vector<16xi32>
    %sub3A_273 = arith.subi %masked_cumsum3A_269, %gather3A_266 : vector<16xi32>
    %add3A_274 = vector.broadcast %add3A_262 : i32 to vector<16xi32>
    %add3A_275 = arith.addi %sub3A_273, %add3A_274 : vector<16xi32>
    tpu.vector_store_idx %arg7[%add3A_272], %add3A_275 : memref<512xi32, #tpu.memory_space<vmem>>[vector<16xi32>], vector<16xi32>,
    %reduce_sum3A_276 = arith.constant true
    %reduce_sum3A_277 = vector.broadcast %reduce_sum3A_276 : i1 to vector<16xi1>
    %reduce_sum3A_278 = tpu.scan <sum>, %gather3A_266 masked %reduce_sum3A_277 : vector<16xi32>, vector<16xi1> -> vector<16xi32>
    %reduce_sum3A_279 = vector.extract %reduce_sum3A_278[15] : i32 from vector<16xi32>
    %add3A_280 = arith.addi %add3A_262, %reduce_sum3A_279 : i32
    %add3A_281 = arith.constant 160 : i32
    %add3A_282 = vector.broadcast %add3A_281 : i32 to vector<16xi32>
    %add3A_283 = arith.addi %add3A_282, %iota3A : vector<16xi32>
    %gather3A_284 = tpu.vector_load_idx %arg6[%add3A_283] : memref<512xi32, #tpu.memory_space<vmem>>[vector<16xi32>], vector<16xi32>,
    %broadcast_in_dim3A_285 = arith.constant true
    %broadcast_in_dim3A_286 = vector.broadcast %broadcast_in_dim3A_285 : i1 to vector<16xi1>
    %masked_cumsum3A_287 = tpu.scan <sum>, %gather3A_284 masked %broadcast_in_dim3A_286 : vector<16xi32>, vector<16xi1> -> vector<16xi32>
    %add3A_288 = arith.constant 160 : i32
    %add3A_289 = vector.broadcast %add3A_288 : i32 to vector<16xi32>
    %add3A_290 = arith.addi %add3A_289, %iota3A : vector<16xi32>
    %sub3A_291 = arith.subi %masked_cumsum3A_287, %gather3A_284 : vector<16xi32>
    %add3A_292 = vector.broadcast %add3A_280 : i32 to vector<16xi32>
    %add3A_293 = arith.addi %sub3A_291, %add3A_292 : vector<16xi32>
    tpu.vector_store_idx %arg7[%add3A_290], %add3A_293 : memref<512xi32, #tpu.memory_space<vmem>>[vector<16xi32>], vector<16xi32>,
    %reduce_sum3A_294 = arith.constant true
    %reduce_sum3A_295 = vector.broadcast %reduce_sum3A_294 : i1 to vector<16xi1>
    %reduce_sum3A_296 = tpu.scan <sum>, %gather3A_284 masked %reduce_sum3A_295 : vector<16xi32>, vector<16xi1> -> vector<16xi32>
    %reduce_sum3A_297 = vector.extract %reduce_sum3A_296[15] : i32 from vector<16xi32>
    %add3A_298 = arith.addi %add3A_280, %reduce_sum3A_297 : i32
    %add3A_299 = arith.constant 176 : i32
    %add3A_300 = vector.broadcast %add3A_299 : i32 to vector<16xi32>
    %add3A_301 = arith.addi %add3A_300, %iota3A : vector<16xi32>
    %gather3A_302 = tpu.vector_load_idx %arg6[%add3A_301] : memref<512xi32, #tpu.memory_space<vmem>>[vector<16xi32>], vector<16xi32>,
    %broadcast_in_dim3A_303 = arith.constant true
    %broadcast_in_dim3A_304 = vector.broadcast %broadcast_in_dim3A_303 : i1 to vector<16xi1>
    %masked_cumsum3A_305 = tpu.scan <sum>, %gather3A_302 masked %broadcast_in_dim3A_304 : vector<16xi32>, vector<16xi1> -> vector<16xi32>
    %add3A_306 = arith.constant 176 : i32
    %add3A_307 = vector.broadcast %add3A_306 : i32 to vector<16xi32>
    %add3A_308 = arith.addi %add3A_307, %iota3A : vector<16xi32>
    %sub3A_309 = arith.subi %masked_cumsum3A_305, %gather3A_302 : vector<16xi32>
    %add3A_310 = vector.broadcast %add3A_298 : i32 to vector<16xi32>
    %add3A_311 = arith.addi %sub3A_309, %add3A_310 : vector<16xi32>
    tpu.vector_store_idx %arg7[%add3A_308], %add3A_311 : memref<512xi32, #tpu.memory_space<vmem>>[vector<16xi32>], vector<16xi32>,
    %reduce_sum3A_312 = arith.constant true
    %reduce_sum3A_313 = vector.broadcast %reduce_sum3A_312 : i1 to vector<16xi1>
    %reduce_sum3A_314 = tpu.scan <sum>, %gather3A_302 masked %reduce_sum3A_313 : vector<16xi32>, vector<16xi1> -> vector<16xi32>
    %reduce_sum3A_315 = vector.extract %reduce_sum3A_314[15] : i32 from vector<16xi32>
    %add3A_316 = arith.addi %add3A_298, %reduce_sum3A_315 : i32
    %add3A_317 = arith.constant 192 : i32
    %add3A_318 = vector.broadcast %add3A_317 : i32 to vector<16xi32>
    %add3A_319 = arith.addi %add3A_318, %iota3A : vector<16xi32>
    %gather3A_320 = tpu.vector_load_idx %arg6[%add3A_319] : memref<512xi32, #tpu.memory_space<vmem>>[vector<16xi32>], vector<16xi32>,
    %broadcast_in_dim3A_321 = arith.constant true
    %broadcast_in_dim3A_322 = vector.broadcast %broadcast_in_dim3A_321 : i1 to vector<16xi1>
    %masked_cumsum3A_323 = tpu.scan <sum>, %gather3A_320 masked %broadcast_in_dim3A_322 : vector<16xi32>, vector<16xi1> -> vector<16xi32>
    %add3A_324 = arith.constant 192 : i32
    %add3A_325 = vector.broadcast %add3A_324 : i32 to vector<16xi32>
    %add3A_326 = arith.addi %add3A_325, %iota3A : vector<16xi32>
    %sub3A_327 = arith.subi %masked_cumsum3A_323, %gather3A_320 : vector<16xi32>
    %add3A_328 = vector.broadcast %add3A_316 : i32 to vector<16xi32>
    %add3A_329 = arith.addi %sub3A_327, %add3A_328 : vector<16xi32>
    tpu.vector_store_idx %arg7[%add3A_326], %add3A_329 : memref<512xi32, #tpu.memory_space<vmem>>[vector<16xi32>], vector<16xi32>,
    %reduce_sum3A_330 = arith.constant true
    %reduce_sum3A_331 = vector.broadcast %reduce_sum3A_330 : i1 to vector<16xi1>
    %reduce_sum3A_332 = tpu.scan <sum>, %gather3A_320 masked %reduce_sum3A_331 : vector<16xi32>, vector<16xi1> -> vector<16xi32>
    %reduce_sum3A_333 = vector.extract %reduce_sum3A_332[15] : i32 from vector<16xi32>
    %add3A_334 = arith.addi %add3A_316, %reduce_sum3A_333 : i32
    %add3A_335 = arith.constant 208 : i32
    %add3A_336 = vector.broadcast %add3A_335 : i32 to vector<16xi32>
    %add3A_337 = arith.addi %add3A_336, %iota3A : vector<16xi32>
    %gather3A_338 = tpu.vector_load_idx %arg6[%add3A_337] : memref<512xi32, #tpu.memory_space<vmem>>[vector<16xi32>], vector<16xi32>,
    %broadcast_in_dim3A_339 = arith.constant true
    %broadcast_in_dim3A_340 = vector.broadcast %broadcast_in_dim3A_339 : i1 to vector<16xi1>
    %masked_cumsum3A_341 = tpu.scan <sum>, %gather3A_338 masked %broadcast_in_dim3A_340 : vector<16xi32>, vector<16xi1> -> vector<16xi32>
    %add3A_342 = arith.constant 208 : i32
    %add3A_343 = vector.broadcast %add3A_342 : i32 to vector<16xi32>
    %add3A_344 = arith.addi %add3A_343, %iota3A : vector<16xi32>
    %sub3A_345 = arith.subi %masked_cumsum3A_341, %gather3A_338 : vector<16xi32>
    %add3A_346 = vector.broadcast %add3A_334 : i32 to vector<16xi32>
    %add3A_347 = arith.addi %sub3A_345, %add3A_346 : vector<16xi32>
    tpu.vector_store_idx %arg7[%add3A_344], %add3A_347 : memref<512xi32, #tpu.memory_space<vmem>>[vector<16xi32>], vector<16xi32>,
    %reduce_sum3A_348 = arith.constant true
    %reduce_sum3A_349 = vector.broadcast %reduce_sum3A_348 : i1 to vector<16xi1>
    %reduce_sum3A_350 = tpu.scan <sum>, %gather3A_338 masked %reduce_sum3A_349 : vector<16xi32>, vector<16xi1> -> vector<16xi32>
    %reduce_sum3A_351 = vector.extract %reduce_sum3A_350[15] : i32 from vector<16xi32>
    %add3A_352 = arith.addi %add3A_334, %reduce_sum3A_351 : i32
    %add3A_353 = arith.constant 224 : i32
    %add3A_354 = vector.broadcast %add3A_353 : i32 to vector<16xi32>
    %add3A_355 = arith.addi %add3A_354, %iota3A : vector<16xi32>
    %gather3A_356 = tpu.vector_load_idx %arg6[%add3A_355] : memref<512xi32, #tpu.memory_space<vmem>>[vector<16xi32>], vector<16xi32>,
    %broadcast_in_dim3A_357 = arith.constant true
    %broadcast_in_dim3A_358 = vector.broadcast %broadcast_in_dim3A_357 : i1 to vector<16xi1>
    %masked_cumsum3A_359 = tpu.scan <sum>, %gather3A_356 masked %broadcast_in_dim3A_358 : vector<16xi32>, vector<16xi1> -> vector<16xi32>
    %add3A_360 = arith.constant 224 : i32
    %add3A_361 = vector.broadcast %add3A_360 : i32 to vector<16xi32>
    %add3A_362 = arith.addi %add3A_361, %iota3A : vector<16xi32>
    %sub3A_363 = arith.subi %masked_cumsum3A_359, %gather3A_356 : vector<16xi32>
    %add3A_364 = vector.broadcast %add3A_352 : i32 to vector<16xi32>
    %add3A_365 = arith.addi %sub3A_363, %add3A_364 : vector<16xi32>
    tpu.vector_store_idx %arg7[%add3A_362], %add3A_365 : memref<512xi32, #tpu.memory_space<vmem>>[vector<16xi32>], vector<16xi32>,
    %reduce_sum3A_366 = arith.constant true
    %reduce_sum3A_367 = vector.broadcast %reduce_sum3A_366 : i1 to vector<16xi1>
    %reduce_sum3A_368 = tpu.scan <sum>, %gather3A_356 masked %reduce_sum3A_367 : vector<16xi32>, vector<16xi1> -> vector<16xi32>
    %reduce_sum3A_369 = vector.extract %reduce_sum3A_368[15] : i32 from vector<16xi32>
    %add3A_370 = arith.addi %add3A_352, %reduce_sum3A_369 : i32
    %add3A_371 = arith.constant 240 : i32
    %add3A_372 = vector.broadcast %add3A_371 : i32 to vector<16xi32>
    %add3A_373 = arith.addi %add3A_372, %iota3A : vector<16xi32>
    %gather3A_374 = tpu.vector_load_idx %arg6[%add3A_373] : memref<512xi32, #tpu.memory_space<vmem>>[vector<16xi32>], vector<16xi32>,
    %broadcast_in_dim3A_375 = arith.constant true
    %broadcast_in_dim3A_376 = vector.broadcast %broadcast_in_dim3A_375 : i1 to vector<16xi1>
    %masked_cumsum3A_377 = tpu.scan <sum>, %gather3A_374 masked %broadcast_in_dim3A_376 : vector<16xi32>, vector<16xi1> -> vector<16xi32>
    %add3A_378 = arith.constant 240 : i32
    %add3A_379 = vector.broadcast %add3A_378 : i32 to vector<16xi32>
    %add3A_380 = arith.addi %add3A_379, %iota3A : vector<16xi32>
    %sub3A_381 = arith.subi %masked_cumsum3A_377, %gather3A_374 : vector<16xi32>
    %add3A_382 = vector.broadcast %add3A_370 : i32 to vector<16xi32>
    %add3A_383 = arith.addi %sub3A_381, %add3A_382 : vector<16xi32>
    tpu.vector_store_idx %arg7[%add3A_380], %add3A_383 : memref<512xi32, #tpu.memory_space<vmem>>[vector<16xi32>], vector<16xi32>,
    %reduce_sum3A_384 = arith.constant true
    %reduce_sum3A_385 = vector.broadcast %reduce_sum3A_384 : i1 to vector<16xi1>
    %reduce_sum3A_386 = tpu.scan <sum>, %gather3A_374 masked %reduce_sum3A_385 : vector<16xi32>, vector<16xi1> -> vector<16xi32>
    %reduce_sum3A_387 = vector.extract %reduce_sum3A_386[15] : i32 from vector<16xi32>
    %add3A_388 = arith.addi %add3A_370, %reduce_sum3A_387 : i32
    %add3A_389 = arith.constant 256 : i32
    %add3A_390 = vector.broadcast %add3A_389 : i32 to vector<16xi32>
    %add3A_391 = arith.addi %add3A_390, %iota3A : vector<16xi32>
    %gather3A_392 = tpu.vector_load_idx %arg6[%add3A_391] : memref<512xi32, #tpu.memory_space<vmem>>[vector<16xi32>], vector<16xi32>,
    %broadcast_in_dim3A_393 = arith.constant true
    %broadcast_in_dim3A_394 = vector.broadcast %broadcast_in_dim3A_393 : i1 to vector<16xi1>
    %masked_cumsum3A_395 = tpu.scan <sum>, %gather3A_392 masked %broadcast_in_dim3A_394 : vector<16xi32>, vector<16xi1> -> vector<16xi32>
    %add3A_396 = arith.constant 256 : i32
    %add3A_397 = vector.broadcast %add3A_396 : i32 to vector<16xi32>
    %add3A_398 = arith.addi %add3A_397, %iota3A : vector<16xi32>
    %sub3A_399 = arith.subi %masked_cumsum3A_395, %gather3A_392 : vector<16xi32>
    %add3A_400 = vector.broadcast %add3A_388 : i32 to vector<16xi32>
    %add3A_401 = arith.addi %sub3A_399, %add3A_400 : vector<16xi32>
    tpu.vector_store_idx %arg7[%add3A_398], %add3A_401 : memref<512xi32, #tpu.memory_space<vmem>>[vector<16xi32>], vector<16xi32>,
    %reduce_sum3A_402 = arith.constant true
    %reduce_sum3A_403 = vector.broadcast %reduce_sum3A_402 : i1 to vector<16xi1>
    %reduce_sum3A_404 = tpu.scan <sum>, %gather3A_392 masked %reduce_sum3A_403 : vector<16xi32>, vector<16xi1> -> vector<16xi32>
    %reduce_sum3A_405 = vector.extract %reduce_sum3A_404[15] : i32 from vector<16xi32>
    %add3A_406 = arith.addi %add3A_388, %reduce_sum3A_405 : i32
    %add3A_407 = arith.constant 272 : i32
    %add3A_408 = vector.broadcast %add3A_407 : i32 to vector<16xi32>
    %add3A_409 = arith.addi %add3A_408, %iota3A : vector<16xi32>
    %gather3A_410 = tpu.vector_load_idx %arg6[%add3A_409] : memref<512xi32, #tpu.memory_space<vmem>>[vector<16xi32>], vector<16xi32>,
    %broadcast_in_dim3A_411 = arith.constant true
    %broadcast_in_dim3A_412 = vector.broadcast %broadcast_in_dim3A_411 : i1 to vector<16xi1>
    %masked_cumsum3A_413 = tpu.scan <sum>, %gather3A_410 masked %broadcast_in_dim3A_412 : vector<16xi32>, vector<16xi1> -> vector<16xi32>
    %add3A_414 = arith.constant 272 : i32
    %add3A_415 = vector.broadcast %add3A_414 : i32 to vector<16xi32>
    %add3A_416 = arith.addi %add3A_415, %iota3A : vector<16xi32>
    %sub3A_417 = arith.subi %masked_cumsum3A_413, %gather3A_410 : vector<16xi32>
    %add3A_418 = vector.broadcast %add3A_406 : i32 to vector<16xi32>
    %add3A_419 = arith.addi %sub3A_417, %add3A_418 : vector<16xi32>
    tpu.vector_store_idx %arg7[%add3A_416], %add3A_419 : memref<512xi32, #tpu.memory_space<vmem>>[vector<16xi32>], vector<16xi32>,
    %reduce_sum3A_420 = arith.constant true
    %reduce_sum3A_421 = vector.broadcast %reduce_sum3A_420 : i1 to vector<16xi1>
    %reduce_sum3A_422 = tpu.scan <sum>, %gather3A_410 masked %reduce_sum3A_421 : vector<16xi32>, vector<16xi1> -> vector<16xi32>
    %reduce_sum3A_423 = vector.extract %reduce_sum3A_422[15] : i32 from vector<16xi32>
    %add3A_424 = arith.addi %add3A_406, %reduce_sum3A_423 : i32
    %add3A_425 = arith.constant 288 : i32
    %add3A_426 = vector.broadcast %add3A_425 : i32 to vector<16xi32>
    %add3A_427 = arith.addi %add3A_426, %iota3A : vector<16xi32>
    %gather3A_428 = tpu.vector_load_idx %arg6[%add3A_427] : memref<512xi32, #tpu.memory_space<vmem>>[vector<16xi32>], vector<16xi32>,
    %broadcast_in_dim3A_429 = arith.constant true
    %broadcast_in_dim3A_430 = vector.broadcast %broadcast_in_dim3A_429 : i1 to vector<16xi1>
    %masked_cumsum3A_431 = tpu.scan <sum>, %gather3A_428 masked %broadcast_in_dim3A_430 : vector<16xi32>, vector<16xi1> -> vector<16xi32>
    %add3A_432 = arith.constant 288 : i32
    %add3A_433 = vector.broadcast %add3A_432 : i32 to vector<16xi32>
    %add3A_434 = arith.addi %add3A_433, %iota3A : vector<16xi32>
    %sub3A_435 = arith.subi %masked_cumsum3A_431, %gather3A_428 : vector<16xi32>
    %add3A_436 = vector.broadcast %add3A_424 : i32 to vector<16xi32>
    %add3A_437 = arith.addi %sub3A_435, %add3A_436 : vector<16xi32>
    tpu.vector_store_idx %arg7[%add3A_434], %add3A_437 : memref<512xi32, #tpu.memory_space<vmem>>[vector<16xi32>], vector<16xi32>,
    %reduce_sum3A_438 = arith.constant true
    %reduce_sum3A_439 = vector.broadcast %reduce_sum3A_438 : i1 to vector<16xi1>
    %reduce_sum3A_440 = tpu.scan <sum>, %gather3A_428 masked %reduce_sum3A_439 : vector<16xi32>, vector<16xi1> -> vector<16xi32>
    %reduce_sum3A_441 = vector.extract %reduce_sum3A_440[15] : i32 from vector<16xi32>
    %add3A_442 = arith.addi %add3A_424, %reduce_sum3A_441 : i32
    %add3A_443 = arith.constant 304 : i32
    %add3A_444 = vector.broadcast %add3A_443 : i32 to vector<16xi32>
    %add3A_445 = arith.addi %add3A_444, %iota3A : vector<16xi32>
    %gather3A_446 = tpu.vector_load_idx %arg6[%add3A_445] : memref<512xi32, #tpu.memory_space<vmem>>[vector<16xi32>], vector<16xi32>,
    %broadcast_in_dim3A_447 = arith.constant true
    %broadcast_in_dim3A_448 = vector.broadcast %broadcast_in_dim3A_447 : i1 to vector<16xi1>
    %masked_cumsum3A_449 = tpu.scan <sum>, %gather3A_446 masked %broadcast_in_dim3A_448 : vector<16xi32>, vector<16xi1> -> vector<16xi32>
    %add3A_450 = arith.constant 304 : i32
    %add3A_451 = vector.broadcast %add3A_450 : i32 to vector<16xi32>
    %add3A_452 = arith.addi %add3A_451, %iota3A : vector<16xi32>
    %sub3A_453 = arith.subi %masked_cumsum3A_449, %gather3A_446 : vector<16xi32>
    %add3A_454 = vector.broadcast %add3A_442 : i32 to vector<16xi32>
    %add3A_455 = arith.addi %sub3A_453, %add3A_454 : vector<16xi32>
    tpu.vector_store_idx %arg7[%add3A_452], %add3A_455 : memref<512xi32, #tpu.memory_space<vmem>>[vector<16xi32>], vector<16xi32>,
    %reduce_sum3A_456 = arith.constant true
    %reduce_sum3A_457 = vector.broadcast %reduce_sum3A_456 : i1 to vector<16xi1>
    %reduce_sum3A_458 = tpu.scan <sum>, %gather3A_446 masked %reduce_sum3A_457 : vector<16xi32>, vector<16xi1> -> vector<16xi32>
    %reduce_sum3A_459 = vector.extract %reduce_sum3A_458[15] : i32 from vector<16xi32>
    %add3A_460 = arith.addi %add3A_442, %reduce_sum3A_459 : i32
    %add3A_461 = arith.constant 320 : i32
    %add3A_462 = vector.broadcast %add3A_461 : i32 to vector<16xi32>
    %add3A_463 = arith.addi %add3A_462, %iota3A : vector<16xi32>
    %gather3A_464 = tpu.vector_load_idx %arg6[%add3A_463] : memref<512xi32, #tpu.memory_space<vmem>>[vector<16xi32>], vector<16xi32>,
    %broadcast_in_dim3A_465 = arith.constant true
    %broadcast_in_dim3A_466 = vector.broadcast %broadcast_in_dim3A_465 : i1 to vector<16xi1>
    %masked_cumsum3A_467 = tpu.scan <sum>, %gather3A_464 masked %broadcast_in_dim3A_466 : vector<16xi32>, vector<16xi1> -> vector<16xi32>
    %add3A_468 = arith.constant 320 : i32
    %add3A_469 = vector.broadcast %add3A_468 : i32 to vector<16xi32>
    %add3A_470 = arith.addi %add3A_469, %iota3A : vector<16xi32>
    %sub3A_471 = arith.subi %masked_cumsum3A_467, %gather3A_464 : vector<16xi32>
    %add3A_472 = vector.broadcast %add3A_460 : i32 to vector<16xi32>
    %add3A_473 = arith.addi %sub3A_471, %add3A_472 : vector<16xi32>
    tpu.vector_store_idx %arg7[%add3A_470], %add3A_473 : memref<512xi32, #tpu.memory_space<vmem>>[vector<16xi32>], vector<16xi32>,
    %reduce_sum3A_474 = arith.constant true
    %reduce_sum3A_475 = vector.broadcast %reduce_sum3A_474 : i1 to vector<16xi1>
    %reduce_sum3A_476 = tpu.scan <sum>, %gather3A_464 masked %reduce_sum3A_475 : vector<16xi32>, vector<16xi1> -> vector<16xi32>
    %reduce_sum3A_477 = vector.extract %reduce_sum3A_476[15] : i32 from vector<16xi32>
    %add3A_478 = arith.addi %add3A_460, %reduce_sum3A_477 : i32
    %add3A_479 = arith.constant 336 : i32
    %add3A_480 = vector.broadcast %add3A_479 : i32 to vector<16xi32>
    %add3A_481 = arith.addi %add3A_480, %iota3A : vector<16xi32>
    %gather3A_482 = tpu.vector_load_idx %arg6[%add3A_481] : memref<512xi32, #tpu.memory_space<vmem>>[vector<16xi32>], vector<16xi32>,
    %broadcast_in_dim3A_483 = arith.constant true
    %broadcast_in_dim3A_484 = vector.broadcast %broadcast_in_dim3A_483 : i1 to vector<16xi1>
    %masked_cumsum3A_485 = tpu.scan <sum>, %gather3A_482 masked %broadcast_in_dim3A_484 : vector<16xi32>, vector<16xi1> -> vector<16xi32>
    %add3A_486 = arith.constant 336 : i32
    %add3A_487 = vector.broadcast %add3A_486 : i32 to vector<16xi32>
    %add3A_488 = arith.addi %add3A_487, %iota3A : vector<16xi32>
    %sub3A_489 = arith.subi %masked_cumsum3A_485, %gather3A_482 : vector<16xi32>
    %add3A_490 = vector.broadcast %add3A_478 : i32 to vector<16xi32>
    %add3A_491 = arith.addi %sub3A_489, %add3A_490 : vector<16xi32>
    tpu.vector_store_idx %arg7[%add3A_488], %add3A_491 : memref<512xi32, #tpu.memory_space<vmem>>[vector<16xi32>], vector<16xi32>,
    %reduce_sum3A_492 = arith.constant true
    %reduce_sum3A_493 = vector.broadcast %reduce_sum3A_492 : i1 to vector<16xi1>
    %reduce_sum3A_494 = tpu.scan <sum>, %gather3A_482 masked %reduce_sum3A_493 : vector<16xi32>, vector<16xi1> -> vector<16xi32>
    %reduce_sum3A_495 = vector.extract %reduce_sum3A_494[15] : i32 from vector<16xi32>
    %add3A_496 = arith.addi %add3A_478, %reduce_sum3A_495 : i32
    %add3A_497 = arith.constant 352 : i32
    %add3A_498 = vector.broadcast %add3A_497 : i32 to vector<16xi32>
    %add3A_499 = arith.addi %add3A_498, %iota3A : vector<16xi32>
    %gather3A_500 = tpu.vector_load_idx %arg6[%add3A_499] : memref<512xi32, #tpu.memory_space<vmem>>[vector<16xi32>], vector<16xi32>,
    %broadcast_in_dim3A_501 = arith.constant true
    %broadcast_in_dim3A_502 = vector.broadcast %broadcast_in_dim3A_501 : i1 to vector<16xi1>
    %masked_cumsum3A_503 = tpu.scan <sum>, %gather3A_500 masked %broadcast_in_dim3A_502 : vector<16xi32>, vector<16xi1> -> vector<16xi32>
    %add3A_504 = arith.constant 352 : i32
    %add3A_505 = vector.broadcast %add3A_504 : i32 to vector<16xi32>
    %add3A_506 = arith.addi %add3A_505, %iota3A : vector<16xi32>
    %sub3A_507 = arith.subi %masked_cumsum3A_503, %gather3A_500 : vector<16xi32>
    %add3A_508 = vector.broadcast %add3A_496 : i32 to vector<16xi32>
    %add3A_509 = arith.addi %sub3A_507, %add3A_508 : vector<16xi32>
    tpu.vector_store_idx %arg7[%add3A_506], %add3A_509 : memref<512xi32, #tpu.memory_space<vmem>>[vector<16xi32>], vector<16xi32>,
    %reduce_sum3A_510 = arith.constant true
    %reduce_sum3A_511 = vector.broadcast %reduce_sum3A_510 : i1 to vector<16xi1>
    %reduce_sum3A_512 = tpu.scan <sum>, %gather3A_500 masked %reduce_sum3A_511 : vector<16xi32>, vector<16xi1> -> vector<16xi32>
    %reduce_sum3A_513 = vector.extract %reduce_sum3A_512[15] : i32 from vector<16xi32>
    %add3A_514 = arith.addi %add3A_496, %reduce_sum3A_513 : i32
    %add3A_515 = arith.constant 368 : i32
    %add3A_516 = vector.broadcast %add3A_515 : i32 to vector<16xi32>
    %add3A_517 = arith.addi %add3A_516, %iota3A : vector<16xi32>
    %gather3A_518 = tpu.vector_load_idx %arg6[%add3A_517] : memref<512xi32, #tpu.memory_space<vmem>>[vector<16xi32>], vector<16xi32>,
    %broadcast_in_dim3A_519 = arith.constant true
    %broadcast_in_dim3A_520 = vector.broadcast %broadcast_in_dim3A_519 : i1 to vector<16xi1>
    %masked_cumsum3A_521 = tpu.scan <sum>, %gather3A_518 masked %broadcast_in_dim3A_520 : vector<16xi32>, vector<16xi1> -> vector<16xi32>
    %add3A_522 = arith.constant 368 : i32
    %add3A_523 = vector.broadcast %add3A_522 : i32 to vector<16xi32>
    %add3A_524 = arith.addi %add3A_523, %iota3A : vector<16xi32>
    %sub3A_525 = arith.subi %masked_cumsum3A_521, %gather3A_518 : vector<16xi32>
    %add3A_526 = vector.broadcast %add3A_514 : i32 to vector<16xi32>
    %add3A_527 = arith.addi %sub3A_525, %add3A_526 : vector<16xi32>
    tpu.vector_store_idx %arg7[%add3A_524], %add3A_527 : memref<512xi32, #tpu.memory_space<vmem>>[vector<16xi32>], vector<16xi32>,
    %reduce_sum3A_528 = arith.constant true
    %reduce_sum3A_529 = vector.broadcast %reduce_sum3A_528 : i1 to vector<16xi1>
    %reduce_sum3A_530 = tpu.scan <sum>, %gather3A_518 masked %reduce_sum3A_529 : vector<16xi32>, vector<16xi1> -> vector<16xi32>
    %reduce_sum3A_531 = vector.extract %reduce_sum3A_530[15] : i32 from vector<16xi32>
    %add3A_532 = arith.addi %add3A_514, %reduce_sum3A_531 : i32
    %add3A_533 = arith.constant 384 : i32
    %add3A_534 = vector.broadcast %add3A_533 : i32 to vector<16xi32>
    %add3A_535 = arith.addi %add3A_534, %iota3A : vector<16xi32>
    %gather3A_536 = tpu.vector_load_idx %arg6[%add3A_535] : memref<512xi32, #tpu.memory_space<vmem>>[vector<16xi32>], vector<16xi32>,
    %broadcast_in_dim3A_537 = arith.constant true
    %broadcast_in_dim3A_538 = vector.broadcast %broadcast_in_dim3A_537 : i1 to vector<16xi1>
    %masked_cumsum3A_539 = tpu.scan <sum>, %gather3A_536 masked %broadcast_in_dim3A_538 : vector<16xi32>, vector<16xi1> -> vector<16xi32>
    %add3A_540 = arith.constant 384 : i32
    %add3A_541 = vector.broadcast %add3A_540 : i32 to vector<16xi32>
    %add3A_542 = arith.addi %add3A_541, %iota3A : vector<16xi32>
    %sub3A_543 = arith.subi %masked_cumsum3A_539, %gather3A_536 : vector<16xi32>
    %add3A_544 = vector.broadcast %add3A_532 : i32 to vector<16xi32>
    %add3A_545 = arith.addi %sub3A_543, %add3A_544 : vector<16xi32>
    tpu.vector_store_idx %arg7[%add3A_542], %add3A_545 : memref<512xi32, #tpu.memory_space<vmem>>[vector<16xi32>], vector<16xi32>,
    %reduce_sum3A_546 = arith.constant true
    %reduce_sum3A_547 = vector.broadcast %reduce_sum3A_546 : i1 to vector<16xi1>
    %reduce_sum3A_548 = tpu.scan <sum>, %gather3A_536 masked %reduce_sum3A_547 : vector<16xi32>, vector<16xi1> -> vector<16xi32>
    %reduce_sum3A_549 = vector.extract %reduce_sum3A_548[15] : i32 from vector<16xi32>
    %add3A_550 = arith.addi %add3A_532, %reduce_sum3A_549 : i32
    %add3A_551 = arith.constant 400 : i32
    %add3A_552 = vector.broadcast %add3A_551 : i32 to vector<16xi32>
    %add3A_553 = arith.addi %add3A_552, %iota3A : vector<16xi32>
    %gather3A_554 = tpu.vector_load_idx %arg6[%add3A_553] : memref<512xi32, #tpu.memory_space<vmem>>[vector<16xi32>], vector<16xi32>,
    %broadcast_in_dim3A_555 = arith.constant true
    %broadcast_in_dim3A_556 = vector.broadcast %broadcast_in_dim3A_555 : i1 to vector<16xi1>
    %masked_cumsum3A_557 = tpu.scan <sum>, %gather3A_554 masked %broadcast_in_dim3A_556 : vector<16xi32>, vector<16xi1> -> vector<16xi32>
    %add3A_558 = arith.constant 400 : i32
    %add3A_559 = vector.broadcast %add3A_558 : i32 to vector<16xi32>
    %add3A_560 = arith.addi %add3A_559, %iota3A : vector<16xi32>
    %sub3A_561 = arith.subi %masked_cumsum3A_557, %gather3A_554 : vector<16xi32>
    %add3A_562 = vector.broadcast %add3A_550 : i32 to vector<16xi32>
    %add3A_563 = arith.addi %sub3A_561, %add3A_562 : vector<16xi32>
    tpu.vector_store_idx %arg7[%add3A_560], %add3A_563 : memref<512xi32, #tpu.memory_space<vmem>>[vector<16xi32>], vector<16xi32>,
    %reduce_sum3A_564 = arith.constant true
    %reduce_sum3A_565 = vector.broadcast %reduce_sum3A_564 : i1 to vector<16xi1>
    %reduce_sum3A_566 = tpu.scan <sum>, %gather3A_554 masked %reduce_sum3A_565 : vector<16xi32>, vector<16xi1> -> vector<16xi32>
    %reduce_sum3A_567 = vector.extract %reduce_sum3A_566[15] : i32 from vector<16xi32>
    %add3A_568 = arith.addi %add3A_550, %reduce_sum3A_567 : i32
    %add3A_569 = arith.constant 416 : i32
    %add3A_570 = vector.broadcast %add3A_569 : i32 to vector<16xi32>
    %add3A_571 = arith.addi %add3A_570, %iota3A : vector<16xi32>
    %gather3A_572 = tpu.vector_load_idx %arg6[%add3A_571] : memref<512xi32, #tpu.memory_space<vmem>>[vector<16xi32>], vector<16xi32>,
    %broadcast_in_dim3A_573 = arith.constant true
    %broadcast_in_dim3A_574 = vector.broadcast %broadcast_in_dim3A_573 : i1 to vector<16xi1>
    %masked_cumsum3A_575 = tpu.scan <sum>, %gather3A_572 masked %broadcast_in_dim3A_574 : vector<16xi32>, vector<16xi1> -> vector<16xi32>
    %add3A_576 = arith.constant 416 : i32
    %add3A_577 = vector.broadcast %add3A_576 : i32 to vector<16xi32>
    %add3A_578 = arith.addi %add3A_577, %iota3A : vector<16xi32>
    %sub3A_579 = arith.subi %masked_cumsum3A_575, %gather3A_572 : vector<16xi32>
    %add3A_580 = vector.broadcast %add3A_568 : i32 to vector<16xi32>
    %add3A_581 = arith.addi %sub3A_579, %add3A_580 : vector<16xi32>
    tpu.vector_store_idx %arg7[%add3A_578], %add3A_581 : memref<512xi32, #tpu.memory_space<vmem>>[vector<16xi32>], vector<16xi32>,
    %reduce_sum3A_582 = arith.constant true
    %reduce_sum3A_583 = vector.broadcast %reduce_sum3A_582 : i1 to vector<16xi1>
    %reduce_sum3A_584 = tpu.scan <sum>, %gather3A_572 masked %reduce_sum3A_583 : vector<16xi32>, vector<16xi1> -> vector<16xi32>
    %reduce_sum3A_585 = vector.extract %reduce_sum3A_584[15] : i32 from vector<16xi32>
    %add3A_586 = arith.addi %add3A_568, %reduce_sum3A_585 : i32
    %add3A_587 = arith.constant 432 : i32
    %add3A_588 = vector.broadcast %add3A_587 : i32 to vector<16xi32>
    %add3A_589 = arith.addi %add3A_588, %iota3A : vector<16xi32>
    %gather3A_590 = tpu.vector_load_idx %arg6[%add3A_589] : memref<512xi32, #tpu.memory_space<vmem>>[vector<16xi32>], vector<16xi32>,
    %broadcast_in_dim3A_591 = arith.constant true
    %broadcast_in_dim3A_592 = vector.broadcast %broadcast_in_dim3A_591 : i1 to vector<16xi1>
    %masked_cumsum3A_593 = tpu.scan <sum>, %gather3A_590 masked %broadcast_in_dim3A_592 : vector<16xi32>, vector<16xi1> -> vector<16xi32>
    %add3A_594 = arith.constant 432 : i32
    %add3A_595 = vector.broadcast %add3A_594 : i32 to vector<16xi32>
    %add3A_596 = arith.addi %add3A_595, %iota3A : vector<16xi32>
    %sub3A_597 = arith.subi %masked_cumsum3A_593, %gather3A_590 : vector<16xi32>
    %add3A_598 = vector.broadcast %add3A_586 : i32 to vector<16xi32>
    %add3A_599 = arith.addi %sub3A_597, %add3A_598 : vector<16xi32>
    tpu.vector_store_idx %arg7[%add3A_596], %add3A_599 : memref<512xi32, #tpu.memory_space<vmem>>[vector<16xi32>], vector<16xi32>,
    %reduce_sum3A_600 = arith.constant true
    %reduce_sum3A_601 = vector.broadcast %reduce_sum3A_600 : i1 to vector<16xi1>
    %reduce_sum3A_602 = tpu.scan <sum>, %gather3A_590 masked %reduce_sum3A_601 : vector<16xi32>, vector<16xi1> -> vector<16xi32>
    %reduce_sum3A_603 = vector.extract %reduce_sum3A_602[15] : i32 from vector<16xi32>
    %add3A_604 = arith.addi %add3A_586, %reduce_sum3A_603 : i32
    %add3A_605 = arith.constant 448 : i32
    %add3A_606 = vector.broadcast %add3A_605 : i32 to vector<16xi32>
    %add3A_607 = arith.addi %add3A_606, %iota3A : vector<16xi32>
    %gather3A_608 = tpu.vector_load_idx %arg6[%add3A_607] : memref<512xi32, #tpu.memory_space<vmem>>[vector<16xi32>], vector<16xi32>,
    %broadcast_in_dim3A_609 = arith.constant true
    %broadcast_in_dim3A_610 = vector.broadcast %broadcast_in_dim3A_609 : i1 to vector<16xi1>
    %masked_cumsum3A_611 = tpu.scan <sum>, %gather3A_608 masked %broadcast_in_dim3A_610 : vector<16xi32>, vector<16xi1> -> vector<16xi32>
    %add3A_612 = arith.constant 448 : i32
    %add3A_613 = vector.broadcast %add3A_612 : i32 to vector<16xi32>
    %add3A_614 = arith.addi %add3A_613, %iota3A : vector<16xi32>
    %sub3A_615 = arith.subi %masked_cumsum3A_611, %gather3A_608 : vector<16xi32>
    %add3A_616 = vector.broadcast %add3A_604 : i32 to vector<16xi32>
    %add3A_617 = arith.addi %sub3A_615, %add3A_616 : vector<16xi32>
    tpu.vector_store_idx %arg7[%add3A_614], %add3A_617 : memref<512xi32, #tpu.memory_space<vmem>>[vector<16xi32>], vector<16xi32>,
    %reduce_sum3A_618 = arith.constant true
    %reduce_sum3A_619 = vector.broadcast %reduce_sum3A_618 : i1 to vector<16xi1>
    %reduce_sum3A_620 = tpu.scan <sum>, %gather3A_608 masked %reduce_sum3A_619 : vector<16xi32>, vector<16xi1> -> vector<16xi32>
    %reduce_sum3A_621 = vector.extract %reduce_sum3A_620[15] : i32 from vector<16xi32>
    %add3A_622 = arith.addi %add3A_604, %reduce_sum3A_621 : i32
    %add3A_623 = arith.constant 464 : i32
    %add3A_624 = vector.broadcast %add3A_623 : i32 to vector<16xi32>
    %add3A_625 = arith.addi %add3A_624, %iota3A : vector<16xi32>
    %gather3A_626 = tpu.vector_load_idx %arg6[%add3A_625] : memref<512xi32, #tpu.memory_space<vmem>>[vector<16xi32>], vector<16xi32>,
    %broadcast_in_dim3A_627 = arith.constant true
    %broadcast_in_dim3A_628 = vector.broadcast %broadcast_in_dim3A_627 : i1 to vector<16xi1>
    %masked_cumsum3A_629 = tpu.scan <sum>, %gather3A_626 masked %broadcast_in_dim3A_628 : vector<16xi32>, vector<16xi1> -> vector<16xi32>
    %add3A_630 = arith.constant 464 : i32
    %add3A_631 = vector.broadcast %add3A_630 : i32 to vector<16xi32>
    %add3A_632 = arith.addi %add3A_631, %iota3A : vector<16xi32>
    %sub3A_633 = arith.subi %masked_cumsum3A_629, %gather3A_626 : vector<16xi32>
    %add3A_634 = vector.broadcast %add3A_622 : i32 to vector<16xi32>
    %add3A_635 = arith.addi %sub3A_633, %add3A_634 : vector<16xi32>
    tpu.vector_store_idx %arg7[%add3A_632], %add3A_635 : memref<512xi32, #tpu.memory_space<vmem>>[vector<16xi32>], vector<16xi32>,
    %reduce_sum3A_636 = arith.constant true
    %reduce_sum3A_637 = vector.broadcast %reduce_sum3A_636 : i1 to vector<16xi1>
    %reduce_sum3A_638 = tpu.scan <sum>, %gather3A_626 masked %reduce_sum3A_637 : vector<16xi32>, vector<16xi1> -> vector<16xi32>
    %reduce_sum3A_639 = vector.extract %reduce_sum3A_638[15] : i32 from vector<16xi32>
    %add3A_640 = arith.addi %add3A_622, %reduce_sum3A_639 : i32
    %add3A_641 = arith.constant 480 : i32
    %add3A_642 = vector.broadcast %add3A_641 : i32 to vector<16xi32>
    %add3A_643 = arith.addi %add3A_642, %iota3A : vector<16xi32>
    %gather3A_644 = tpu.vector_load_idx %arg6[%add3A_643] : memref<512xi32, #tpu.memory_space<vmem>>[vector<16xi32>], vector<16xi32>,
    %broadcast_in_dim3A_645 = arith.constant true
    %broadcast_in_dim3A_646 = vector.broadcast %broadcast_in_dim3A_645 : i1 to vector<16xi1>
    %masked_cumsum3A_647 = tpu.scan <sum>, %gather3A_644 masked %broadcast_in_dim3A_646 : vector<16xi32>, vector<16xi1> -> vector<16xi32>
    %add3A_648 = arith.constant 480 : i32
    %add3A_649 = vector.broadcast %add3A_648 : i32 to vector<16xi32>
    %add3A_650 = arith.addi %add3A_649, %iota3A : vector<16xi32>
    %sub3A_651 = arith.subi %masked_cumsum3A_647, %gather3A_644 : vector<16xi32>
    %add3A_652 = vector.broadcast %add3A_640 : i32 to vector<16xi32>
    %add3A_653 = arith.addi %sub3A_651, %add3A_652 : vector<16xi32>
    tpu.vector_store_idx %arg7[%add3A_650], %add3A_653 : memref<512xi32, #tpu.memory_space<vmem>>[vector<16xi32>], vector<16xi32>,
    %reduce_sum3A_654 = arith.constant true
    %reduce_sum3A_655 = vector.broadcast %reduce_sum3A_654 : i1 to vector<16xi1>
    %reduce_sum3A_656 = tpu.scan <sum>, %gather3A_644 masked %reduce_sum3A_655 : vector<16xi32>, vector<16xi1> -> vector<16xi32>
    %reduce_sum3A_657 = vector.extract %reduce_sum3A_656[15] : i32 from vector<16xi32>
    %add3A_658 = arith.addi %add3A_640, %reduce_sum3A_657 : i32
    %add3A_659 = arith.constant 496 : i32
    %add3A_660 = vector.broadcast %add3A_659 : i32 to vector<16xi32>
    %add3A_661 = arith.addi %add3A_660, %iota3A : vector<16xi32>
    %gather3A_662 = tpu.vector_load_idx %arg6[%add3A_661] : memref<512xi32, #tpu.memory_space<vmem>>[vector<16xi32>], vector<16xi32>,
    %broadcast_in_dim3A_663 = arith.constant true
    %broadcast_in_dim3A_664 = vector.broadcast %broadcast_in_dim3A_663 : i1 to vector<16xi1>
    %masked_cumsum3A_665 = tpu.scan <sum>, %gather3A_662 masked %broadcast_in_dim3A_664 : vector<16xi32>, vector<16xi1> -> vector<16xi32>
    %add3A_666 = arith.constant 496 : i32
    %add3A_667 = vector.broadcast %add3A_666 : i32 to vector<16xi32>
    %add3A_668 = arith.addi %add3A_667, %iota3A : vector<16xi32>
    %sub3A_669 = arith.subi %masked_cumsum3A_665, %gather3A_662 : vector<16xi32>
    %add3A_670 = vector.broadcast %add3A_658 : i32 to vector<16xi32>
    %add3A_671 = arith.addi %sub3A_669, %add3A_670 : vector<16xi32>
    tpu.vector_store_idx %arg7[%add3A_668], %add3A_671 : memref<512xi32, #tpu.memory_space<vmem>>[vector<16xi32>], vector<16xi32>,
    %reduce_sum3A_672 = arith.constant true
    %reduce_sum3A_673 = vector.broadcast %reduce_sum3A_672 : i1 to vector<16xi1>
    %reduce_sum3A_674 = tpu.scan <sum>, %gather3A_662 masked %reduce_sum3A_673 : vector<16xi32>, vector<16xi1> -> vector<16xi32>
    %reduce_sum3A_675 = vector.extract %reduce_sum3A_674[15] : i32 from vector<16xi32>
    %add3A_676 = arith.addi %add3A_658, %reduce_sum3A_675 : i32
    %scan3A_677 = arith.constant 0 : i32
    %scan3A_678 = arith.constant 0 : i32
    %scan3A_679 = arith.constant 79 : i32
    %scan3A_680 = arith.addi %scan3A_678, %scan3A_679 : i32
    %scan3A_681 = arith.constant 1 : i32
    scf.for %scan3A_683 = %scan3A_678 to %scan3A_680 step %scan3A_681  : i32 {
      %get3A = arith.constant 0 : i32
      %get3A_684 = arith.index_cast %scan3A_683 : i32 to index
      %get3A_685 = arith.index_cast %get3A : i32 to index
      %get3A_686 = arith.constant 0 : index
      %get3A_687 = tpu.vector_load %arg4[%get3A_684, %get3A_685, %get3A_686] {strides = array<i32>} : memref<79x2x128xi32, #tpu.memory_space<vmem>>, vector<16xi32>,
      %get3A_688 = arith.constant 1 : i32
      %get3A_689 = arith.index_cast %scan3A_683 : i32 to index
      %get3A_690 = arith.index_cast %get3A_688 : i32 to index
      %get3A_691 = arith.constant 0 : index
      %get3A_692 = tpu.vector_load %arg4[%get3A_689, %get3A_690, %get3A_691] {strides = array<i32>} : memref<79x2x128xi32, #tpu.memory_space<vmem>>, vector<16xi32>,
      %mul3A_693 = arith.constant 107203 : i32
      %mul3A_694 = vector.broadcast %mul3A_693 : i32 to vector<16xi32>
      %mul3A_695 = arith.muli %get3A_687, %mul3A_694 : vector<16xi32>
      %shift_right_logical3A = arith.constant 25 : i32
      %shift_right_logical3A_696 = vector.broadcast %shift_right_logical3A : i32 to vector<16xi32>
      %shift_right_logical3A_697 = arith.shrui %mul3A_695, %shift_right_logical3A_696 : vector<16xi32>
      %mul3A_698 = arith.constant 16 : i32
      %mul3A_699 = vector.broadcast %mul3A_698 : i32 to vector<16xi32>
      %mul3A_700 = arith.muli %shift_right_logical3A_697, %mul3A_699 : vector<16xi32>
      %add3A_701 = arith.addi %mul3A_700, %iota3A : vector<16xi32>
      %gather3A_702 = tpu.vector_load_idx %arg7[%add3A_701] : memref<512xi32, #tpu.memory_space<vmem>>[vector<16xi32>], vector<16xi32>,
      %add3A_703 = arith.constant 1 : i32
      %add3A_704 = vector.broadcast %add3A_703 : i32 to vector<16xi32>
      %add3A_705 = arith.addi %gather3A_702, %add3A_704 : vector<16xi32>
      tpu.vector_store_idx %arg7[%add3A_701], %add3A_705 : memref<512xi32, #tpu.memory_space<vmem>>[vector<16xi32>], vector<16xi32>,
      %shift_right_logical3A_706 = arith.constant 7 : i32
      %shift_right_logical3A_707 = vector.broadcast %shift_right_logical3A_706 : i32 to vector<16xi32>
      %shift_right_logical3A_708 = arith.shrui %gather3A_702, %shift_right_logical3A_707 : vector<16xi32>
      %mul3A_709 = arith.constant 128 : i32
      %mul3A_710 = vector.broadcast %mul3A_709 : i32 to vector<16xi32>
      %mul3A_711 = arith.muli %shift_right_logical3A_708, %mul3A_710 : vector<16xi32>
      %add3A_712 = arith.addi %gather3A_702, %mul3A_711 : vector<16xi32>
      tpu.vector_store_idx %arg5[%add3A_712], %get3A_687 : memref<20224xi32, #tpu.memory_space<vmem>>[vector<16xi32>], vector<16xi32>,
      %add3A_713 = arith.constant 128 : i32
      %add3A_714 = vector.broadcast %add3A_713 : i32 to vector<16xi32>
      %add3A_715 = arith.addi %add3A_712, %add3A_714 : vector<16xi32>
      tpu.vector_store_idx %arg5[%add3A_715], %get3A_692 : memref<20224xi32, #tpu.memory_space<vmem>>[vector<16xi32>], vector<16xi32>,
      %get3A_716 = arith.constant 0 : i32
      %get3A_717 = arith.index_cast %scan3A_683 : i32 to index
      %get3A_718 = arith.index_cast %get3A_716 : i32 to index
      %get3A_719 = arith.constant 16 : index
      %get3A_720 = tpu.vector_load %arg4[%get3A_717, %get3A_718, %get3A_719] {strides = array<i32>} : memref<79x2x128xi32, #tpu.memory_space<vmem>>, vector<16xi32>,
      %get3A_721 = arith.constant 1 : i32
      %get3A_722 = arith.index_cast %scan3A_683 : i32 to index
      %get3A_723 = arith.index_cast %get3A_721 : i32 to index
      %get3A_724 = arith.constant 16 : index
      %get3A_725 = tpu.vector_load %arg4[%get3A_722, %get3A_723, %get3A_724] {strides = array<i32>} : memref<79x2x128xi32, #tpu.memory_space<vmem>>, vector<16xi32>,
      %mul3A_726 = arith.constant 107203 : i32
      %mul3A_727 = vector.broadcast %mul3A_726 : i32 to vector<16xi32>
      %mul3A_728 = arith.muli %get3A_720, %mul3A_727 : vector<16xi32>
      %shift_right_logical3A_729 = arith.constant 25 : i32
      %shift_right_logical3A_730 = vector.broadcast %shift_right_logical3A_729 : i32 to vector<16xi32>
      %shift_right_logical3A_731 = arith.shrui %mul3A_728, %shift_right_logical3A_730 : vector<16xi32>
      %mul3A_732 = arith.constant 16 : i32
      %mul3A_733 = vector.broadcast %mul3A_732 : i32 to vector<16xi32>
      %mul3A_734 = arith.muli %shift_right_logical3A_731, %mul3A_733 : vector<16xi32>
      %add3A_735 = arith.addi %mul3A_734, %iota3A : vector<16xi32>
      %gather3A_736 = tpu.vector_load_idx %arg7[%add3A_735] : memref<512xi32, #tpu.memory_space<vmem>>[vector<16xi32>], vector<16xi32>,
      %add3A_737 = arith.constant 1 : i32
      %add3A_738 = vector.broadcast %add3A_737 : i32 to vector<16xi32>
      %add3A_739 = arith.addi %gather3A_736, %add3A_738 : vector<16xi32>
      tpu.vector_store_idx %arg7[%add3A_735], %add3A_739 : memref<512xi32, #tpu.memory_space<vmem>>[vector<16xi32>], vector<16xi32>,
      %shift_right_logical3A_740 = arith.constant 7 : i32
      %shift_right_logical3A_741 = vector.broadcast %shift_right_logical3A_740 : i32 to vector<16xi32>
      %shift_right_logical3A_742 = arith.shrui %gather3A_736, %shift_right_logical3A_741 : vector<16xi32>
      %mul3A_743 = arith.constant 128 : i32
      %mul3A_744 = vector.broadcast %mul3A_743 : i32 to vector<16xi32>
      %mul3A_745 = arith.muli %shift_right_logical3A_742, %mul3A_744 : vector<16xi32>
      %add3A_746 = arith.addi %gather3A_736, %mul3A_745 : vector<16xi32>
      tpu.vector_store_idx %arg5[%add3A_746], %get3A_720 : memref<20224xi32, #tpu.memory_space<vmem>>[vector<16xi32>], vector<16xi32>,
      %add3A_747 = arith.constant 128 : i32
      %add3A_748 = vector.broadcast %add3A_747 : i32 to vector<16xi32>
      %add3A_749 = arith.addi %add3A_746, %add3A_748 : vector<16xi32>
      tpu.vector_store_idx %arg5[%add3A_749], %get3A_725 : memref<20224xi32, #tpu.memory_space<vmem>>[vector<16xi32>], vector<16xi32>,
      %get3A_750 = arith.constant 0 : i32
      %get3A_751 = arith.index_cast %scan3A_683 : i32 to index
      %get3A_752 = arith.index_cast %get3A_750 : i32 to index
      %get3A_753 = arith.constant 32 : index
      %get3A_754 = tpu.vector_load %arg4[%get3A_751, %get3A_752, %get3A_753] {strides = array<i32>} : memref<79x2x128xi32, #tpu.memory_space<vmem>>, vector<16xi32>,
      %get3A_755 = arith.constant 1 : i32
      %get3A_756 = arith.index_cast %scan3A_683 : i32 to index
      %get3A_757 = arith.index_cast %get3A_755 : i32 to index
      %get3A_758 = arith.constant 32 : index
      %get3A_759 = tpu.vector_load %arg4[%get3A_756, %get3A_757, %get3A_758] {strides = array<i32>} : memref<79x2x128xi32, #tpu.memory_space<vmem>>, vector<16xi32>,
      %mul3A_760 = arith.constant 107203 : i32
      %mul3A_761 = vector.broadcast %mul3A_760 : i32 to vector<16xi32>
      %mul3A_762 = arith.muli %get3A_754, %mul3A_761 : vector<16xi32>
      %shift_right_logical3A_763 = arith.constant 25 : i32
      %shift_right_logical3A_764 = vector.broadcast %shift_right_logical3A_763 : i32 to vector<16xi32>
      %shift_right_logical3A_765 = arith.shrui %mul3A_762, %shift_right_logical3A_764 : vector<16xi32>
      %mul3A_766 = arith.constant 16 : i32
      %mul3A_767 = vector.broadcast %mul3A_766 : i32 to vector<16xi32>
      %mul3A_768 = arith.muli %shift_right_logical3A_765, %mul3A_767 : vector<16xi32>
      %add3A_769 = arith.addi %mul3A_768, %iota3A : vector<16xi32>
      %gather3A_770 = tpu.vector_load_idx %arg7[%add3A_769] : memref<512xi32, #tpu.memory_space<vmem>>[vector<16xi32>], vector<16xi32>,
      %add3A_771 = arith.constant 1 : i32
      %add3A_772 = vector.broadcast %add3A_771 : i32 to vector<16xi32>
      %add3A_773 = arith.addi %gather3A_770, %add3A_772 : vector<16xi32>
      tpu.vector_store_idx %arg7[%add3A_769], %add3A_773 : memref<512xi32, #tpu.memory_space<vmem>>[vector<16xi32>], vector<16xi32>,
      %shift_right_logical3A_774 = arith.constant 7 : i32
      %shift_right_logical3A_775 = vector.broadcast %shift_right_logical3A_774 : i32 to vector<16xi32>
      %shift_right_logical3A_776 = arith.shrui %gather3A_770, %shift_right_logical3A_775 : vector<16xi32>
      %mul3A_777 = arith.constant 128 : i32
      %mul3A_778 = vector.broadcast %mul3A_777 : i32 to vector<16xi32>
      %mul3A_779 = arith.muli %shift_right_logical3A_776, %mul3A_778 : vector<16xi32>
      %add3A_780 = arith.addi %gather3A_770, %mul3A_779 : vector<16xi32>
      tpu.vector_store_idx %arg5[%add3A_780], %get3A_754 : memref<20224xi32, #tpu.memory_space<vmem>>[vector<16xi32>], vector<16xi32>,
      %add3A_781 = arith.constant 128 : i32
      %add3A_782 = vector.broadcast %add3A_781 : i32 to vector<16xi32>
      %add3A_783 = arith.addi %add3A_780, %add3A_782 : vector<16xi32>
      tpu.vector_store_idx %arg5[%add3A_783], %get3A_759 : memref<20224xi32, #tpu.memory_space<vmem>>[vector<16xi32>], vector<16xi32>,
      %get3A_784 = arith.constant 0 : i32
      %get3A_785 = arith.index_cast %scan3A_683 : i32 to index
      %get3A_786 = arith.index_cast %get3A_784 : i32 to index
      %get3A_787 = arith.constant 48 : index
      %get3A_788 = tpu.vector_load %arg4[%get3A_785, %get3A_786, %get3A_787] {strides = array<i32>} : memref<79x2x128xi32, #tpu.memory_space<vmem>>, vector<16xi32>,
      %get3A_789 = arith.constant 1 : i32
      %get3A_790 = arith.index_cast %scan3A_683 : i32 to index
      %get3A_791 = arith.index_cast %get3A_789 : i32 to index
      %get3A_792 = arith.constant 48 : index
      %get3A_793 = tpu.vector_load %arg4[%get3A_790, %get3A_791, %get3A_792] {strides = array<i32>} : memref<79x2x128xi32, #tpu.memory_space<vmem>>, vector<16xi32>,
      %mul3A_794 = arith.constant 107203 : i32
      %mul3A_795 = vector.broadcast %mul3A_794 : i32 to vector<16xi32>
      %mul3A_796 = arith.muli %get3A_788, %mul3A_795 : vector<16xi32>
      %shift_right_logical3A_797 = arith.constant 25 : i32
      %shift_right_logical3A_798 = vector.broadcast %shift_right_logical3A_797 : i32 to vector<16xi32>
      %shift_right_logical3A_799 = arith.shrui %mul3A_796, %shift_right_logical3A_798 : vector<16xi32>
      %mul3A_800 = arith.constant 16 : i32
      %mul3A_801 = vector.broadcast %mul3A_800 : i32 to vector<16xi32>
      %mul3A_802 = arith.muli %shift_right_logical3A_799, %mul3A_801 : vector<16xi32>
      %add3A_803 = arith.addi %mul3A_802, %iota3A : vector<16xi32>
      %gather3A_804 = tpu.vector_load_idx %arg7[%add3A_803] : memref<512xi32, #tpu.memory_space<vmem>>[vector<16xi32>], vector<16xi32>,
      %add3A_805 = arith.constant 1 : i32
      %add3A_806 = vector.broadcast %add3A_805 : i32 to vector<16xi32>
      %add3A_807 = arith.addi %gather3A_804, %add3A_806 : vector<16xi32>
      tpu.vector_store_idx %arg7[%add3A_803], %add3A_807 : memref<512xi32, #tpu.memory_space<vmem>>[vector<16xi32>], vector<16xi32>,
      %shift_right_logical3A_808 = arith.constant 7 : i32
      %shift_right_logical3A_809 = vector.broadcast %shift_right_logical3A_808 : i32 to vector<16xi32>
      %shift_right_logical3A_810 = arith.shrui %gather3A_804, %shift_right_logical3A_809 : vector<16xi32>
      %mul3A_811 = arith.constant 128 : i32
      %mul3A_812 = vector.broadcast %mul3A_811 : i32 to vector<16xi32>
      %mul3A_813 = arith.muli %shift_right_logical3A_810, %mul3A_812 : vector<16xi32>
      %add3A_814 = arith.addi %gather3A_804, %mul3A_813 : vector<16xi32>
      tpu.vector_store_idx %arg5[%add3A_814], %get3A_788 : memref<20224xi32, #tpu.memory_space<vmem>>[vector<16xi32>], vector<16xi32>,
      %add3A_815 = arith.constant 128 : i32
      %add3A_816 = vector.broadcast %add3A_815 : i32 to vector<16xi32>
      %add3A_817 = arith.addi %add3A_814, %add3A_816 : vector<16xi32>
      tpu.vector_store_idx %arg5[%add3A_817], %get3A_793 : memref<20224xi32, #tpu.memory_space<vmem>>[vector<16xi32>], vector<16xi32>,
      %get3A_818 = arith.constant 0 : i32
      %get3A_819 = arith.index_cast %scan3A_683 : i32 to index
      %get3A_820 = arith.index_cast %get3A_818 : i32 to index
      %get3A_821 = arith.constant 64 : index
      %get3A_822 = tpu.vector_load %arg4[%get3A_819, %get3A_820, %get3A_821] {strides = array<i32>} : memref<79x2x128xi32, #tpu.memory_space<vmem>>, vector<16xi32>,
      %get3A_823 = arith.constant 1 : i32
      %get3A_824 = arith.index_cast %scan3A_683 : i32 to index
      %get3A_825 = arith.index_cast %get3A_823 : i32 to index
      %get3A_826 = arith.constant 64 : index
      %get3A_827 = tpu.vector_load %arg4[%get3A_824, %get3A_825, %get3A_826] {strides = array<i32>} : memref<79x2x128xi32, #tpu.memory_space<vmem>>, vector<16xi32>,
      %mul3A_828 = arith.constant 107203 : i32
      %mul3A_829 = vector.broadcast %mul3A_828 : i32 to vector<16xi32>
      %mul3A_830 = arith.muli %get3A_822, %mul3A_829 : vector<16xi32>
      %shift_right_logical3A_831 = arith.constant 25 : i32
      %shift_right_logical3A_832 = vector.broadcast %shift_right_logical3A_831 : i32 to vector<16xi32>
      %shift_right_logical3A_833 = arith.shrui %mul3A_830, %shift_right_logical3A_832 : vector<16xi32>
      %mul3A_834 = arith.constant 16 : i32
      %mul3A_835 = vector.broadcast %mul3A_834 : i32 to vector<16xi32>
      %mul3A_836 = arith.muli %shift_right_logical3A_833, %mul3A_835 : vector<16xi32>
      %add3A_837 = arith.addi %mul3A_836, %iota3A : vector<16xi32>
      %gather3A_838 = tpu.vector_load_idx %arg7[%add3A_837] : memref<512xi32, #tpu.memory_space<vmem>>[vector<16xi32>], vector<16xi32>,
      %add3A_839 = arith.constant 1 : i32
      %add3A_840 = vector.broadcast %add3A_839 : i32 to vector<16xi32>
      %add3A_841 = arith.addi %gather3A_838, %add3A_840 : vector<16xi32>
      tpu.vector_store_idx %arg7[%add3A_837], %add3A_841 : memref<512xi32, #tpu.memory_space<vmem>>[vector<16xi32>], vector<16xi32>,
      %shift_right_logical3A_842 = arith.constant 7 : i32
      %shift_right_logical3A_843 = vector.broadcast %shift_right_logical3A_842 : i32 to vector<16xi32>
      %shift_right_logical3A_844 = arith.shrui %gather3A_838, %shift_right_logical3A_843 : vector<16xi32>
      %mul3A_845 = arith.constant 128 : i32
      %mul3A_846 = vector.broadcast %mul3A_845 : i32 to vector<16xi32>
      %mul3A_847 = arith.muli %shift_right_logical3A_844, %mul3A_846 : vector<16xi32>
      %add3A_848 = arith.addi %gather3A_838, %mul3A_847 : vector<16xi32>
      tpu.vector_store_idx %arg5[%add3A_848], %get3A_822 : memref<20224xi32, #tpu.memory_space<vmem>>[vector<16xi32>], vector<16xi32>,
      %add3A_849 = arith.constant 128 : i32
      %add3A_850 = vector.broadcast %add3A_849 : i32 to vector<16xi32>
      %add3A_851 = arith.addi %add3A_848, %add3A_850 : vector<16xi32>
      tpu.vector_store_idx %arg5[%add3A_851], %get3A_827 : memref<20224xi32, #tpu.memory_space<vmem>>[vector<16xi32>], vector<16xi32>,
      %get3A_852 = arith.constant 0 : i32
      %get3A_853 = arith.index_cast %scan3A_683 : i32 to index
      %get3A_854 = arith.index_cast %get3A_852 : i32 to index
      %get3A_855 = arith.constant 80 : index
      %get3A_856 = tpu.vector_load %arg4[%get3A_853, %get3A_854, %get3A_855] {strides = array<i32>} : memref<79x2x128xi32, #tpu.memory_space<vmem>>, vector<16xi32>,
      %get3A_857 = arith.constant 1 : i32
      %get3A_858 = arith.index_cast %scan3A_683 : i32 to index
      %get3A_859 = arith.index_cast %get3A_857 : i32 to index
      %get3A_860 = arith.constant 80 : index
      %get3A_861 = tpu.vector_load %arg4[%get3A_858, %get3A_859, %get3A_860] {strides = array<i32>} : memref<79x2x128xi32, #tpu.memory_space<vmem>>, vector<16xi32>,
      %mul3A_862 = arith.constant 107203 : i32
      %mul3A_863 = vector.broadcast %mul3A_862 : i32 to vector<16xi32>
      %mul3A_864 = arith.muli %get3A_856, %mul3A_863 : vector<16xi32>
      %shift_right_logical3A_865 = arith.constant 25 : i32
      %shift_right_logical3A_866 = vector.broadcast %shift_right_logical3A_865 : i32 to vector<16xi32>
      %shift_right_logical3A_867 = arith.shrui %mul3A_864, %shift_right_logical3A_866 : vector<16xi32>
      %mul3A_868 = arith.constant 16 : i32
      %mul3A_869 = vector.broadcast %mul3A_868 : i32 to vector<16xi32>
      %mul3A_870 = arith.muli %shift_right_logical3A_867, %mul3A_869 : vector<16xi32>
      %add3A_871 = arith.addi %mul3A_870, %iota3A : vector<16xi32>
      %gather3A_872 = tpu.vector_load_idx %arg7[%add3A_871] : memref<512xi32, #tpu.memory_space<vmem>>[vector<16xi32>], vector<16xi32>,
      %add3A_873 = arith.constant 1 : i32
      %add3A_874 = vector.broadcast %add3A_873 : i32 to vector<16xi32>
      %add3A_875 = arith.addi %gather3A_872, %add3A_874 : vector<16xi32>
      tpu.vector_store_idx %arg7[%add3A_871], %add3A_875 : memref<512xi32, #tpu.memory_space<vmem>>[vector<16xi32>], vector<16xi32>,
      %shift_right_logical3A_876 = arith.constant 7 : i32
      %shift_right_logical3A_877 = vector.broadcast %shift_right_logical3A_876 : i32 to vector<16xi32>
      %shift_right_logical3A_878 = arith.shrui %gather3A_872, %shift_right_logical3A_877 : vector<16xi32>
      %mul3A_879 = arith.constant 128 : i32
      %mul3A_880 = vector.broadcast %mul3A_879 : i32 to vector<16xi32>
      %mul3A_881 = arith.muli %shift_right_logical3A_878, %mul3A_880 : vector<16xi32>
      %add3A_882 = arith.addi %gather3A_872, %mul3A_881 : vector<16xi32>
      tpu.vector_store_idx %arg5[%add3A_882], %get3A_856 : memref<20224xi32, #tpu.memory_space<vmem>>[vector<16xi32>], vector<16xi32>,
      %add3A_883 = arith.constant 128 : i32
      %add3A_884 = vector.broadcast %add3A_883 : i32 to vector<16xi32>
      %add3A_885 = arith.addi %add3A_882, %add3A_884 : vector<16xi32>
      tpu.vector_store_idx %arg5[%add3A_885], %get3A_861 : memref<20224xi32, #tpu.memory_space<vmem>>[vector<16xi32>], vector<16xi32>,
      %get3A_886 = arith.constant 0 : i32
      %get3A_887 = arith.index_cast %scan3A_683 : i32 to index
      %get3A_888 = arith.index_cast %get3A_886 : i32 to index
      %get3A_889 = arith.constant 96 : index
      %get3A_890 = tpu.vector_load %arg4[%get3A_887, %get3A_888, %get3A_889] {strides = array<i32>} : memref<79x2x128xi32, #tpu.memory_space<vmem>>, vector<16xi32>,
      %get3A_891 = arith.constant 1 : i32
      %get3A_892 = arith.index_cast %scan3A_683 : i32 to index
      %get3A_893 = arith.index_cast %get3A_891 : i32 to index
      %get3A_894 = arith.constant 96 : index
      %get3A_895 = tpu.vector_load %arg4[%get3A_892, %get3A_893, %get3A_894] {strides = array<i32>} : memref<79x2x128xi32, #tpu.memory_space<vmem>>, vector<16xi32>,
      %mul3A_896 = arith.constant 107203 : i32
      %mul3A_897 = vector.broadcast %mul3A_896 : i32 to vector<16xi32>
      %mul3A_898 = arith.muli %get3A_890, %mul3A_897 : vector<16xi32>
      %shift_right_logical3A_899 = arith.constant 25 : i32
      %shift_right_logical3A_900 = vector.broadcast %shift_right_logical3A_899 : i32 to vector<16xi32>
      %shift_right_logical3A_901 = arith.shrui %mul3A_898, %shift_right_logical3A_900 : vector<16xi32>
      %mul3A_902 = arith.constant 16 : i32
      %mul3A_903 = vector.broadcast %mul3A_902 : i32 to vector<16xi32>
      %mul3A_904 = arith.muli %shift_right_logical3A_901, %mul3A_903 : vector<16xi32>
      %add3A_905 = arith.addi %mul3A_904, %iota3A : vector<16xi32>
      %gather3A_906 = tpu.vector_load_idx %arg7[%add3A_905] : memref<512xi32, #tpu.memory_space<vmem>>[vector<16xi32>], vector<16xi32>,
      %add3A_907 = arith.constant 1 : i32
      %add3A_908 = vector.broadcast %add3A_907 : i32 to vector<16xi32>
      %add3A_909 = arith.addi %gather3A_906, %add3A_908 : vector<16xi32>
      tpu.vector_store_idx %arg7[%add3A_905], %add3A_909 : memref<512xi32, #tpu.memory_space<vmem>>[vector<16xi32>], vector<16xi32>,
      %shift_right_logical3A_910 = arith.constant 7 : i32
      %shift_right_logical3A_911 = vector.broadcast %shift_right_logical3A_910 : i32 to vector<16xi32>
      %shift_right_logical3A_912 = arith.shrui %gather3A_906, %shift_right_logical3A_911 : vector<16xi32>
      %mul3A_913 = arith.constant 128 : i32
      %mul3A_914 = vector.broadcast %mul3A_913 : i32 to vector<16xi32>
      %mul3A_915 = arith.muli %shift_right_logical3A_912, %mul3A_914 : vector<16xi32>
      %add3A_916 = arith.addi %gather3A_906, %mul3A_915 : vector<16xi32>
      tpu.vector_store_idx %arg5[%add3A_916], %get3A_890 : memref<20224xi32, #tpu.memory_space<vmem>>[vector<16xi32>], vector<16xi32>,
      %add3A_917 = arith.constant 128 : i32
      %add3A_918 = vector.broadcast %add3A_917 : i32 to vector<16xi32>
      %add3A_919 = arith.addi %add3A_916, %add3A_918 : vector<16xi32>
      tpu.vector_store_idx %arg5[%add3A_919], %get3A_895 : memref<20224xi32, #tpu.memory_space<vmem>>[vector<16xi32>], vector<16xi32>,
      %get3A_920 = arith.constant 0 : i32
      %get3A_921 = arith.index_cast %scan3A_683 : i32 to index
      %get3A_922 = arith.index_cast %get3A_920 : i32 to index
      %get3A_923 = arith.constant 112 : index
      %get3A_924 = tpu.vector_load %arg4[%get3A_921, %get3A_922, %get3A_923] {strides = array<i32>} : memref<79x2x128xi32, #tpu.memory_space<vmem>>, vector<16xi32>,
      %get3A_925 = arith.constant 1 : i32
      %get3A_926 = arith.index_cast %scan3A_683 : i32 to index
      %get3A_927 = arith.index_cast %get3A_925 : i32 to index
      %get3A_928 = arith.constant 112 : index
      %get3A_929 = tpu.vector_load %arg4[%get3A_926, %get3A_927, %get3A_928] {strides = array<i32>} : memref<79x2x128xi32, #tpu.memory_space<vmem>>, vector<16xi32>,
      %mul3A_930 = arith.constant 107203 : i32
      %mul3A_931 = vector.broadcast %mul3A_930 : i32 to vector<16xi32>
      %mul3A_932 = arith.muli %get3A_924, %mul3A_931 : vector<16xi32>
      %shift_right_logical3A_933 = arith.constant 25 : i32
      %shift_right_logical3A_934 = vector.broadcast %shift_right_logical3A_933 : i32 to vector<16xi32>
      %shift_right_logical3A_935 = arith.shrui %mul3A_932, %shift_right_logical3A_934 : vector<16xi32>
      %mul3A_936 = arith.constant 16 : i32
      %mul3A_937 = vector.broadcast %mul3A_936 : i32 to vector<16xi32>
      %mul3A_938 = arith.muli %shift_right_logical3A_935, %mul3A_937 : vector<16xi32>
      %add3A_939 = arith.addi %mul3A_938, %iota3A : vector<16xi32>
      %gather3A_940 = tpu.vector_load_idx %arg7[%add3A_939] : memref<512xi32, #tpu.memory_space<vmem>>[vector<16xi32>], vector<16xi32>,
      %add3A_941 = arith.constant 1 : i32
      %add3A_942 = vector.broadcast %add3A_941 : i32 to vector<16xi32>
      %add3A_943 = arith.addi %gather3A_940, %add3A_942 : vector<16xi32>
      tpu.vector_store_idx %arg7[%add3A_939], %add3A_943 : memref<512xi32, #tpu.memory_space<vmem>>[vector<16xi32>], vector<16xi32>,
      %shift_right_logical3A_944 = arith.constant 7 : i32
      %shift_right_logical3A_945 = vector.broadcast %shift_right_logical3A_944 : i32 to vector<16xi32>
      %shift_right_logical3A_946 = arith.shrui %gather3A_940, %shift_right_logical3A_945 : vector<16xi32>
      %mul3A_947 = arith.constant 128 : i32
      %mul3A_948 = vector.broadcast %mul3A_947 : i32 to vector<16xi32>
      %mul3A_949 = arith.muli %shift_right_logical3A_946, %mul3A_948 : vector<16xi32>
      %add3A_950 = arith.addi %gather3A_940, %mul3A_949 : vector<16xi32>
      tpu.vector_store_idx %arg5[%add3A_950], %get3A_924 : memref<20224xi32, #tpu.memory_space<vmem>>[vector<16xi32>], vector<16xi32>,
      %add3A_951 = arith.constant 128 : i32
      %add3A_952 = vector.broadcast %add3A_951 : i32 to vector<16xi32>
      %add3A_953 = arith.addi %add3A_950, %add3A_952 : vector<16xi32>
      tpu.vector_store_idx %arg5[%add3A_953], %get3A_929 : memref<20224xi32, #tpu.memory_space<vmem>>[vector<16xi32>], vector<16xi32>,
    }
    %scan3A_682 = arith.constant 79 : i32
    "tpu.region"() ({
      %run_scoped3A = tpu.sem_alloc : memref<!tpu.dma_semaphore, #tpu.memory_space<semaphore_mem>>
      %dma_start3A = arith.constant 0 : i32
      %dma_start3A_683 = tpu.memref_slice %arg3[%add3A, %dma_start3A] : memref<32x20224xi32, #tpu.memory_space<hbm>> -> memref<1x20224xi32, #tpu.memory_space<hbm>>
      %dma_start3A_684 = tpu.memref_squeeze %dma_start3A_683 : memref<1x20224xi32, #tpu.memory_space<hbm>> -> memref<20224xi32, #tpu.memory_space<hbm>>
      %dma_start3A_685 = arith.constant 0 : i32
      %dma_start3A_686 = tpu.memref_slice %arg3[%add3A, %dma_start3A_685] : memref<32x20224xi32, #tpu.memory_space<hbm>> -> memref<1x20224xi32, #tpu.memory_space<hbm>>
      %dma_start3A_687 = tpu.memref_squeeze %dma_start3A_686 : memref<1x20224xi32, #tpu.memory_space<hbm>> -> memref<20224xi32, #tpu.memory_space<hbm>>
      tpu.enqueue_dma source(%arg5 : memref<20224xi32, #tpu.memory_space<vmem>>) target(%dma_start3A_687 : memref<20224xi32, #tpu.memory_space<hbm>>) target_semaphore(%run_scoped3A : memref<!tpu.dma_semaphore, #tpu.memory_space<semaphore_mem>>)
      %dma_wait3A = arith.constant 0 : i32
      %dma_wait3A_688 = tpu.memref_slice %arg3[%add3A, %dma_wait3A] : memref<32x20224xi32, #tpu.memory_space<hbm>> -> memref<1x20224xi32, #tpu.memory_space<hbm>>
      %dma_wait3A_689 = tpu.memref_squeeze %dma_wait3A_688 : memref<1x20224xi32, #tpu.memory_space<hbm>> -> memref<20224xi32, #tpu.memory_space<hbm>>
      %dma_wait3A_690 = arith.constant 0 : i32
      %dma_wait3A_691 = tpu.memref_slice %arg3[%add3A, %dma_wait3A_690] : memref<32x20224xi32, #tpu.memory_space<hbm>> -> memref<1x20224xi32, #tpu.memory_space<hbm>>
      %dma_wait3A_692 = tpu.memref_squeeze %dma_wait3A_691 : memref<1x20224xi32, #tpu.memory_space<hbm>> -> memref<20224xi32, #tpu.memory_space<hbm>>
      tpu.wait_dma2 semaphore(%run_scoped3A : memref<!tpu.dma_semaphore, #tpu.memory_space<semaphore_mem>>) src(%arg5 : memref<20224xi32, #tpu.memory_space<vmem>>) dst(%dma_wait3A_692 : memref<20224xi32, #tpu.memory_space<hbm>>)
      tpu.yield
    }) : () -> ()
    return
  }
}

</mosaic_0001>

<sc_bundles>
// kernel: _binsort.3.cloned.1.call-start
scs
__scs_entry_jumppad:
0x0: {  	(pc) =	sbr.rel $0x88, $3  }
0x1: {  	(tag) =	ssettag $0x0;
	lr =	simm.s32 $0x1  }
0x2: {  	[smem:$0x3FA0] =	sst lr;
	_ =	strace $0xD0000000  }
0x3: {  	_ = 	snop  }
0x4: {  	_ = 	snop  }
0x5: {  	_ = 	snop  }
0x6: {  	_ = 	snop  }
0x7: {  	_ = 	snop  }
__scs_overlays_trampoline_lowered:
0x8: {  	[smem:$0x3FAF] =	sst s0  }
0x9: {  	[smem:$0x3FB0] =	sst s1  }
0xa: {  	[smem:$0x3FB1] =	sst s2  }
0xb: {  	[smem:$0x3FB2] =	sst s3  }
0xc: {  	[smem:$0x3FB3] =	sst s4  }
0xd: {  	[smem:$0x3FB4] =	sst s5  }
0xe: {  	[smem:$0x3FB5] =	sst s6  }
0xf: {  	[smem:$0x3FB6] =	sst s7  }
0x10: {  	[smem:$0x3FB7] =	sst s8  }
0x11: {  	[smem:$0x3FB8] =	sst s9;
	s0 =	simm.s32 @!p0 $0x0  }
0x12: {  	s1 =	sld [smem:$0x3F9E];
	s0 =	simm.s32 @p0 $0x1  }
0x13: {  	[smem:$0x3FB9] =	sst s0;
	s0 =	simm.s32 @!p1 $0x0  }
0x14: {  	s2 =	sld [smem:$0x3F9D];
	s0 =	simm.s32 @p1 $0x1  }
0x15: {  	[smem:$0x3FBA] =	sst s0;
	s0 =	simm.s32 @!p2 $0x0  }
0x16: {  	s3 =	sld [smem:$0x3FDB];
	s0 =	simm.s32 @p2 $0x1  }
0x17: {  	s4 =	simm.s32 $0x1BF5;
	[smem:$0x3FBC] =	sst s0  }
0x18: {  	s0 =	sld [smem:$0x3F9F];
	_ =	swait.ge [sflag:s4], $0x0  }
0x19: {  	s7 =	sld [smem:$0x3FA0]  }
0x1a: {  	s8 =	sadd.s32 $0xFFFFE003, lr  }
0x1b: {  	s9 =	sadd.s32 $0xFFFFFEF7, lr;
	s5 =	simm.s32 $0xFFFFFFFF;
	p2 =	slt.u32 s8, $0xFFFFF086  }
0x1c: {  	p1 =	slt.u32 s9, $0xF7A;
	s5 =	simm.s32 @!p2 $0x0  }
0x1d: {  	s5 =	simm.s32 @p1 $0x1;
	p0 =	seq.s32 s7, s2  }
0x1e: {  	s7 =	smul.u32 @!p0 $0xF7A, s2;
	p2 =	seq.s32 @!p0 s5, $0x0  }
0x1f: {  	s9 =	smul.u32 $0xF7A, s1;
	s8 =	simm.s32 @!p0 $0x1BF5;
	p2 =	por !p2, p0  }
0x20: {  	[sflag:s8] =	ssyncset.s32 @!p0 $0xFFFFF086;
	s6 =	sadd.s32 @!p0 s3, s7;
	s7 =	simm.s32 @!p0 $0x108  }
0x21: {  	s3 =	sadd.s32 s3, s9;
	s6 =	sadd.s32 @!p0 $0x88, s6;
	s7 =	simm.s32 @p2 $0x1082  }
0x22: {  	[simem:s7], [sflag:s8] =	dma.local @!p0 [hbm:s6], $0xF7A  }
0x23: {  	s9 =	sor.u32 $0xD0000000, s2;
	s6 =	simm.s32 $0x108;
	_ =	swait.ge @!p0 [sflag:s8], $0x0  }
0x24: {  	s3 =	sadd.s32 $0x88, s3;
	s6 =	simm.s32 @!p1 $0x1082;
	[sflag:s4] =	ssyncset.s32 $0xFFFFF086  }
0x25: {  	[simem:s6], [sflag:s4] =	dma.local [hbm:s3], $0xF7A  }
0x26: {  	[smem:$0x3FA0] =	sst s1;
	(tag) =	ssettag s2;
	_ =	strace s9  }
0x27: {  	s1 =	sld [smem:$0x3FB0]  }
0x28: {  	s2 =	sld [smem:$0x3FB1]  }
0x29: {  	s4 =	sld [smem:$0x3FB3]  }
0x2a: {  	p0 =	seq.s32 s5, $0x0;
	s5 =	sld [smem:$0x3FB4]  }
0x2b: {  	s6 =	sld [smem:$0x3FB5]  }
0x2c: {  	s7 =	sld [smem:$0x3FB6]  }
0x2d: {  	s3 =	simm.s32 $0x108;
	s8 =	sld [smem:$0x3FB7]  }
0x2e: {  	s3 =	simm.s32 @!p0 $0x1082;
	s9 =	sld [smem:$0x3FB8]  }
0x2f: {  	lr =	sadd.s32 s0, s3;
	s0 =	sld [smem:$0x3FAF]  }
0x30: {  	s3 =	sld [smem:$0x3FB2]  }
0x31: {  	[smem:$0x3FBB] =	sst s10  }
0x32: {  	s10 =	sld [smem:$0x3FB9];
	_ =	sdelay $0x3  }
0x33: {  	p0 =	seq.s32 s10, $0x1;
	s10 =	sld [smem:$0x3FBB];
	_ =	sdelay $0x3  }
0x34: {  	[smem:$0x3FBB] =	sst s10  }
0x35: {  	s10 =	sld [smem:$0x3FBA];
	_ =	sdelay $0x3  }
0x36: {  	p1 =	seq.s32 s10, $0x1;
	s10 =	sld [smem:$0x3FBB];
	_ =	sdelay $0x3  }
0x37: {  	[smem:$0x3FBB] =	sst s10  }
0x38: {  	s10 =	sld [smem:$0x3FBC]  }
0x39: {  	_ = 	snop;
	(pc) =	sbr.ind lr, $3  }
0x3a: {  	_ = 	snop  }
0x3b: {  	_ = 	snop  }
0x3c: {  	p2 =	seq.s32 s10, $0x1;
	s10 =	sld [smem:$0x3FBB]  }
0x3d: {  	_ =	shalt  }
0x3e: {  	_ =	shalt  }
0x3f: {  	_ =	shalt  }
0x40: {  	_ =	shalt  }
0x41: {  	_ =	shalt  }
0x42: {  	_ =	shalt  }
0x43: {  	_ =	shalt  }
0x44: {  	_ =	shalt  }
0x45: {  	_ =	shalt  }
0x46: {  	_ =	shalt  }
0x47: {  	_ =	shalt  }
0x48: {  	_ =	shalt  }
0x49: {  	_ =	shalt  }
0x4a: {  	_ =	shalt  }
0x4b: {  	_ =	shalt  }
0x4c: {  	_ =	shalt  }
0x4d: {  	_ =	shalt  }
0x4e: {  	_ =	shalt  }
0x4f: {  	_ =	shalt  }
0x50: {  	_ =	shalt  }
0x51: {  	_ =	shalt  }
0x52: {  	_ =	shalt  }
0x53: {  	_ =	shalt  }
0x54: {  	_ =	shalt  }
0x55: {  	_ =	shalt  }
0x56: {  	_ =	shalt  }
0x57: {  	_ =	shalt  }
0x58: {  	_ =	shalt  }
0x59: {  	_ =	shalt  }
0x5a: {  	_ =	shalt  }
0x5b: {  	_ =	shalt  }
0x5c: {  	_ =	shalt  }
0x5d: {  	_ =	shalt  }
0x5e: {  	_ =	shalt  }
0x5f: {  	_ =	shalt  }
0x60: {  	_ =	shalt  }
0x61: {  	_ =	shalt  }
0x62: {  	_ =	shalt  }
0x63: {  	_ =	shalt  }
0x64: {  	_ =	shalt  }
0x65: {  	_ =	shalt  }
0x66: {  	_ =	shalt  }
0x67: {  	_ =	shalt  }
0x68: {  	_ =	shalt  }
0x69: {  	_ =	shalt  }
0x6a: {  	_ =	shalt  }
0x6b: {  	_ =	shalt  }
0x6c: {  	_ =	shalt  }
0x6d: {  	_ =	shalt  }
0x6e: {  	_ =	shalt  }
0x6f: {  	_ =	shalt  }
0x70: {  	_ =	shalt  }
0x71: {  	_ =	shalt  }
0x72: {  	_ =	shalt  }
0x73: {  	_ =	shalt  }
0x74: {  	_ =	shalt  }
0x75: {  	_ =	shalt  }
0x76: {  	_ =	shalt  }
0x77: {  	_ =	shalt  }
0x78: {  	_ =	shalt  }
0x79: {  	_ =	shalt  }
0x7a: {  	_ =	shalt  }
0x7b: {  	_ =	shalt  }
0x7c: {  	_ =	shalt  }
0x7d: {  	_ =	shalt  }
0x7e: {  	_ =	shalt  }
0x7f: {  	_ =	shalt  }
0x80: {  	_ =	shalt  }
0x81: {  	_ =	shalt  }
0x82: {  	_ =	shalt  }
0x83: {  	_ =	shalt  }
0x84: {  	_ =	shalt  }
0x85: {  	_ =	shalt  }
0x86: {  	_ =	shalt  }
0x87: {  	_ =	shalt  }
.Lfunc_end0:
.L_simem_size_0:
called_computation_lowered:
.L_overlay_start_0:
0x88: {  	s2 =	sld [smem:$0x3FD9]  }
0x89: {  	s3 =	sld [smem:$0x3FFE];
	_ =	sdelay $0x1  }
0x8a: {  	s1 =	srdreg.scid  }
0x8b: {  	s0 =	sand.u32 $0x1, s1  }
0x8c: {  	s18 =	sshll.u32 s0, $0xA;
	s2 =	sadd.s32 s3, s2  }
0x8d: {  	s2 =	sadd.s32 s2, s18  }
0x8e: {  	[smem:$0x3FC7] =	sst s2  }
0x8f: {  	_ = 	snop  }
0x90: {  	s2 =	sld [smem:$0x3FC9]  }
0x91: {  	s19 =	sld [smem:$0x3FD0];
	(tm) =	ssettm $0x1  }
0x92: {  	s4 =	sld [smem:$0x3FFB];
	_ =	sdelay $0x3  }
0x93: {  	_ =	strace s4  }
0x94: {  	s4 =	sld [smem:$0x3FFC];
	_ =	sdelay $0x3  }
0x95: {  	_ =	strace s4  }
0x96: {  	s4 =	sld [smem:$0x3FFD];
	_ =	sdelay $0x3  }
0x97: {  	_ =	strace s4  }
0x98: {  	_ =	strace $0x8FFFFFFF  }
0x99: {  	s20 =	sld [smem:$0x3FDB];
	_ =	sdelay $0x1  }
0x9a: {  	s5 =	simm.s32 $_scs_section_size  }
0x9b: {  	s6 =	simm.s32 $_size__tile_overlayer_lowered;
	s7 =	simm.s32 $_tile_overlayer_lowered  }
0x9c: {  	s23 =	simm.s32 $0x1BFF;
	s22 =	sshll.u32 s7, $0x1;
	s4 =	sadd.s32 s5, s20  }
0x9d: {  	s8 =	simm.s32 $0x0;
	s21 =	sshll.u32 s6, $0x1;
	s6 =	sadd.s32 s22, s4  }
0x9e: {  	[timem:s8], [sflag:s23] =	dma.local [hbm:s6], s21  }
0x9f: {  	_ =	swait.ge [sflag:s23], s21  }
0xa0: {  	s5 =	ssub.s32 $0x0, s21;
	[sflag:s23] =	ssyncset.done $0x0  }
0xa1: {  	[sflag:s23] =	ssyncadd.s32 s5;
	_ =	sdelay $0x1  }
0xa2: {  	s24 =	simm.s32 $0x1B8B  }
0xa3: {  	_ =	swait.ge [sflag:s24], $0x1  }
0xa4: {  	[sflag:s24] =	ssyncset.done $0x0  }
0xa5: {  	s25 =	simm.s32 $0x1B8E;
	[sflag:s24] =	ssyncadd.s32 $0xFFFFFFFF  }
0xa6: {  	s26 =	simm.s32 $execute0_lowered;
	[smem:$0x3FD2] =	sst s25  }
0xa7: {  	s5 =	sshll.u32 s26, $0x1;
	_ =	strace $0x80000046;
	[dreg:$0x1] =	wrdreg $0xFFFFFFFF  }
0xa8: {  	s28 =	simm.s32 $_size_execute0_lowered;
	s4 =	sadd.s32 s4, s5;
	[dreg:$0x0] =	wrdreg $0x0  }
0xa9: {  	s5 =	sshll.u32 s28, $0x1;
	[dreg:$0x2] =	wrdreg s4  }
0xaa: {  	[dreg:$0x3] =	wrdreg s5  }
0xab: {  	[dreg:$0x4] =	wrdreg $0xC0  }
0xac: {  	_ =	task [dreg:s8], $0x5FFFF  }
0xad: {  	[dreg:$0x1] =	wrdreg $0xFFFFFFFF  }
0xae: {  	[dreg:$0x0] =	wrdreg $0x60  }
0xaf: {  	[dreg:$0x2] =	wrdreg s2  }
0xb0: {  	[dreg:$0x3] =	wrdreg s19  }
0xb1: {  	[dreg:$0x4] =	wrdreg $0x9  }
0xb2: {  	_ =	task.clear_ibuf [dreg:s8], $0x5FFFF;
	_ =	strace $0x90000046  }
0xb3: {  	s29 =	simm.s32 $0x9;
	_ =	strace $0x80000048  }
0xb4: {  	_ =	swait.ge [sflag:s29], $0x1  }
0xb5: {  	[sflag:s29] =	ssyncadd.s32 $0xFFFFFFFF  }
0xb6: {  	_ =	strace $0x90000048  }
0xb7: {  	_ =	sfence  }
0xb8: {  	s30 =	sld [smem:$0x0];
	_ =	sdelay $0x2  }
0xb9: {  	s31 =	sshll.u32 s1, $0xD;
	s1 =	sshrl.u32 s1, $0x2  }
0xba: {  	s3 =	sand.u32 $0x4000, s31;
	s1 =	sadd.s32 s1, s30  }
0xbb: {  	s0 =	sor.u32 s3, s0;
	s1 =	sshll.u32 s1, $0x11  }
0xbc: {  	s0 =	sor.u32 s1, s0  }
0xbd: {  	s0 =	sadd.s32 $0x8F2B, s0  }
0xbe: {  	[sflag:s0] =	ssyncadd.remote.s32 $0x1  }
0xbf: {  	_ =	sfence.sel $0xFFFF  }
0xc0: {  	[dreg:$0x0] =	wrdreg $0xFFFFFFFF;
	(pc) =	sbr.abs _section_cstart, $3  }
0xc1: {  	[dreg:$0x1] =	wrdreg $0xFFFFFFFF  }
0xc2: {  	_ =	task.clear_ibuf [dreg:s8], $0x2FFFF;
	_ =	strace $0x9FFFFFFF  }
0xc3: {  	(tm) =	ssettm $0x7FFFFFFF  }
tec
execute0_lowered:
.L_overlay_start_1:
0x0: {  	(tag) =	ssettag $0x1  }
0x1: {  	v0 =	vlaneseq.u32  }
0x2: {  	v1 =	vimm.s32 $0x0;
	s4 =	rddreg [dreg:$0x0];
	v2 =	vor.u32 $0x10, v0  }
0x3: {  	s0 =	srdreg.scid;
	s5 =	rddreg [dreg:$0x1];
	s2 =	simm.s32 $0x0;
	v3 =	vor.u32 $0x20, v0;
	v4 =	vor.u32 $0x30, v0;
	v5 =	vor.u32 $0x40, v0  }
0x4: {  	s10 =	simm.s32 $0x80;
	s11 =	simm.s32 $0x400;
	s3 =	sand.u32 $0x1, s0;
	v6 =	vor.u32 $0x50, v0;
	v7 =	vor.u32 $0x60, v0;
	v8 =	vor.u32 $0x70, v0  }
0x5: {  	s12 =	simm.s32 $0x0;
	s0 =	stileid.u32;
	v9 =	vor.u32 $0x80, v0;
	v10 =	vor.u32 $0x90, v0;
	v11 =	vor.u32 $0xA0, v0;
	s1 =	sshll.u32 s3, $0x4  }
0x6: {  	[smem:$0x7FF] =	sst s2;
	v12 =	vor.u32 $0xB0, v0;
	v13 =	vor.u32 $0xC0, v0;
	v14 =	vor.u32 $0xD0, v0;
	s8 =	sshll.u32 s0, $0x7;
	s6 =	sor.u32 s0, s1  }
0x7: {  	v15 =	vor.u32 $0xE0, v0;
	v16 =	vor.u32 $0xF0, v0;
	v17 =	vor.u32 $0x100, v0;
	s3 =	ssub.s32 $0x2, s3;
	s7 =	sshrl.u32 s6, $0x3;
	s6 =	smul.u32 $0x9E0, s6  }
0x8: {  	v18 =	vor.u32 $0x110, v0;
	v19 =	vor.u32 $0x120, v0;
	v20 =	vor.u32 $0x130, v0;
	s1 =	rddreg [dreg:$0x2];
	s9 =	sshrl.u32 s3, $0x1;
	s7 =	smul.u32 $0x27800, s7  }
0x9: {  	v21 =	vor.u32 $0x140, v0;
	v22 =	vor.u32 $0x150, v0;
	v23 =	vor.u32 $0x160, v0;
	s8 =	sand.u32 $0x380, s8;
	_ =	strace $0x80000047;
	s30 =	ssub.s32 s3, s9  }
0xa: {  	v24 =	vor.u32 $0x170, v0;
	v25 =	vor.u32 $0x180, v0;
	v26 =	vor.u32 $0x190, v0;
	s9 =	simm.s32 $0x4F00;
	s3 =	sadd.s32 s4, s6;
	s7 =	sor.u32 s8, s7  }
0xb: {  	v27 =	vor.u32 $0x1A0, v0;
	v28 =	vor.u32 $0x1B0, v0;
	v29 =	vor.u32 $0x1C0, v0;
	s6 =	simm.s32 $0x1;
	s8 =	simm.s32 $0xA000;
	s31 =	sshrl.u32 s7, $0x3  }
0xc: {  	v30 =	vor.u32 $0x1D0, v0;
	v31 =	vor.u32 $0x1E0, v0;
	v32 =	vor.u32 $0x1F0, v0;
	s7 =	simm.s32 $0x9E00;
	s4 =	sadd.s32 s5, s31;
	s5 =	smax.u32 s30, $0x1  }
.LBB2_1:
0xd: {  	[tilespmem:s2], [sflag:$0x1] =	stream.linear.gather [hbm4b:s3+s2], $0x4F00, $0x38;
	[tilespmem:$0xA200] =	vst v63  }
0xe: {  	_ =	swait.ge [sflag:s6], $0x4F00  }
0xf: {  	[sflag:s6] =	ssyncset.done $0x0  }
0x10: {  	[sflag:s6] =	ssyncadd.s32 $0xFFFFB100  }
0x11: {  	[tilespmem:v0+s7+$0x0] =	vst.idx.msk $0xffff, v1  }
0x12: {  	[tilespmem:v2+s7+$0x0] =	vst.idx.msk $0xffff, v1  }
0x13: {  	[tilespmem:v3+s7+$0x0] =	vst.idx.msk $0xffff, v1  }
0x14: {  	[tilespmem:v4+s7+$0x0] =	vst.idx.msk $0xffff, v1  }
0x15: {  	[tilespmem:v5+s7+$0x0] =	vst.idx.msk $0xffff, v1  }
0x16: {  	[tilespmem:v6+s7+$0x0] =	vst.idx.msk $0xffff, v1  }
0x17: {  	[tilespmem:v7+s7+$0x0] =	vst.idx.msk $0xffff, v1  }
0x18: {  	[tilespmem:v8+s7+$0x0] =	vst.idx.msk $0xffff, v1  }
0x19: {  	[tilespmem:v9+s7+$0x0] =	vst.idx.msk $0xffff, v1  }
0x1a: {  	[tilespmem:v10+s7+$0x0] =	vst.idx.msk $0xffff, v1  }
0x1b: {  	[tilespmem:v11+s7+$0x0] =	vst.idx.msk $0xffff, v1  }
0x1c: {  	[tilespmem:v12+s7+$0x0] =	vst.idx.msk $0xffff, v1  }
0x1d: {  	[tilespmem:v13+s7+$0x0] =	vst.idx.msk $0xffff, v1  }
0x1e: {  	[tilespmem:v14+s7+$0x0] =	vst.idx.msk $0xffff, v1  }
0x1f: {  	[tilespmem:v15+s7+$0x0] =	vst.idx.msk $0xffff, v1  }
0x20: {  	[tilespmem:v16+s7+$0x0] =	vst.idx.msk $0xffff, v1  }
0x21: {  	[tilespmem:v17+s7+$0x0] =	vst.idx.msk $0xffff, v1  }
0x22: {  	[tilespmem:v18+s7+$0x0] =	vst.idx.msk $0xffff, v1  }
0x23: {  	[tilespmem:v19+s7+$0x0] =	vst.idx.msk $0xffff, v1  }
0x24: {  	[tilespmem:v20+s7+$0x0] =	vst.idx.msk $0xffff, v1  }
0x25: {  	[tilespmem:v21+s7+$0x0] =	vst.idx.msk $0xffff, v1  }
0x26: {  	[tilespmem:v22+s7+$0x0] =	vst.idx.msk $0xffff, v1  }
0x27: {  	[tilespmem:v23+s7+$0x0] =	vst.idx.msk $0xffff, v1  }
0x28: {  	[tilespmem:v24+s7+$0x0] =	vst.idx.msk $0xffff, v1  }
0x29: {  	[tilespmem:v25+s7+$0x0] =	vst.idx.msk $0xffff, v1  }
0x2a: {  	[tilespmem:v26+s7+$0x0] =	vst.idx.msk $0xffff, v1  }
0x2b: {  	[tilespmem:v27+s7+$0x0] =	vst.idx.msk $0xffff, v1  }
0x2c: {  	[tilespmem:v28+s7+$0x0] =	vst.idx.msk $0xffff, v1  }
0x2d: {  	[tilespmem:v29+s7+$0x0] =	vst.idx.msk $0xffff, v1  }
0x2e: {  	[tilespmem:v30+s7+$0x0] =	vst.idx.msk $0xffff, v1  }
0x2f: {  	[tilespmem:v31+s7+$0x0] =	vst.idx.msk $0xffff, v1  }
0x30: {  	s13 =	simm.s32 $0x0;
	[tilespmem:v32+s7+$0x0] =	vst.idx.msk $0xffff, v1  }
.LBB2_2:
0x31: {  	s14 =	sshra.s32 s13, $0x2  }
0x32: {  	v33 =	vld [tilespmem:s14+$0x0];
	_ =	sdelay $0x4  }
0x33: {  	v33 =	vmul.u32 $0x1A2C3, v33;
	_ =	sdelay $0x1  }
0x34: {  	v33 =	vshrl.u32 v33, $0x15  }
0x35: {  	v33 =	vand.u32 $0x7F0, v33  }
0x36: {  	v33 =	vor.u32 v0, v33;
	_ =	sdelay $0x4  }
0x37: {  	v34 =	vld.idx.msk [tilespmem:v33+s7+$0x0], $0xffff;
	_ =	sdelay $0x4  }
0x38: {  	v34 =	vadd.s32 $0x1, v34  }
0x39: {  	[tilespmem:v33+s7+$0x0] =	vst.idx.msk $0xffff, v34  }
0x3a: {  	v33 =	vld [tilespmem:s14+$0x10];
	_ =	sdelay $0x4  }
0x3b: {  	v33 =	vmul.u32 $0x1A2C3, v33;
	_ =	sdelay $0x1  }
0x3c: {  	v33 =	vshrl.u32 v33, $0x15  }
0x3d: {  	v33 =	vand.u32 $0x7F0, v33  }
0x3e: {  	v33 =	vor.u32 v0, v33;
	_ =	sdelay $0x4  }
0x3f: {  	v34 =	vld.idx.msk [tilespmem:v33+s7+$0x0], $0xffff;
	_ =	sdelay $0x4  }
0x40: {  	v34 =	vadd.s32 $0x1, v34  }
0x41: {  	[tilespmem:v33+s7+$0x0] =	vst.idx.msk $0xffff, v34  }
0x42: {  	v33 =	vld [tilespmem:s14+$0x20];
	_ =	sdelay $0x4  }
0x43: {  	v33 =	vmul.u32 $0x1A2C3, v33;
	_ =	sdelay $0x1  }
0x44: {  	v33 =	vshrl.u32 v33, $0x15  }
0x45: {  	v33 =	vand.u32 $0x7F0, v33  }
0x46: {  	v33 =	vor.u32 v0, v33;
	_ =	sdelay $0x4  }
0x47: {  	v34 =	vld.idx.msk [tilespmem:v33+s7+$0x0], $0xffff;
	_ =	sdelay $0x4  }
0x48: {  	v34 =	vadd.s32 $0x1, v34  }
0x49: {  	[tilespmem:v33+s7+$0x0] =	vst.idx.msk $0xffff, v34  }
0x4a: {  	v33 =	vld [tilespmem:s14+$0x30];
	_ =	sdelay $0x4  }
0x4b: {  	v33 =	vmul.u32 $0x1A2C3, v33;
	_ =	sdelay $0x1  }
0x4c: {  	v33 =	vshrl.u32 v33, $0x15  }
0x4d: {  	v33 =	vand.u32 $0x7F0, v33  }
0x4e: {  	v33 =	vor.u32 v0, v33;
	_ =	sdelay $0x4  }
0x4f: {  	v34 =	vld.idx.msk [tilespmem:v33+s7+$0x0], $0xffff;
	_ =	sdelay $0x4  }
0x50: {  	v34 =	vadd.s32 $0x1, v34  }
0x51: {  	[tilespmem:v33+s7+$0x0] =	vst.idx.msk $0xffff, v34  }
0x52: {  	v33 =	vld [tilespmem:s14+$0x40];
	_ =	sdelay $0x4  }
0x53: {  	v33 =	vmul.u32 $0x1A2C3, v33;
	_ =	sdelay $0x1  }
0x54: {  	v33 =	vshrl.u32 v33, $0x15  }
0x55: {  	v33 =	vand.u32 $0x7F0, v33  }
0x56: {  	v33 =	vor.u32 v0, v33;
	_ =	sdelay $0x4  }
0x57: {  	v34 =	vld.idx.msk [tilespmem:v33+s7+$0x0], $0xffff;
	_ =	sdelay $0x4  }
0x58: {  	v34 =	vadd.s32 $0x1, v34  }
0x59: {  	[tilespmem:v33+s7+$0x0] =	vst.idx.msk $0xffff, v34  }
0x5a: {  	v33 =	vld [tilespmem:s14+$0x50];
	_ =	sdelay $0x4  }
0x5b: {  	v33 =	vmul.u32 $0x1A2C3, v33;
	_ =	sdelay $0x1  }
0x5c: {  	v33 =	vshrl.u32 v33, $0x15  }
0x5d: {  	v33 =	vand.u32 $0x7F0, v33  }
0x5e: {  	v33 =	vor.u32 v0, v33;
	_ =	sdelay $0x4  }
0x5f: {  	v34 =	vld.idx.msk [tilespmem:v33+s7+$0x0], $0xffff;
	_ =	sdelay $0x4  }
0x60: {  	v34 =	vadd.s32 $0x1, v34  }
0x61: {  	[tilespmem:v33+s7+$0x0] =	vst.idx.msk $0xffff, v34  }
0x62: {  	v33 =	vld [tilespmem:s14+$0x60];
	_ =	sdelay $0x4  }
0x63: {  	v33 =	vmul.u32 $0x1A2C3, v33;
	_ =	sdelay $0x1  }
0x64: {  	v33 =	vshrl.u32 v33, $0x15  }
0x65: {  	v33 =	vand.u32 $0x7F0, v33  }
0x66: {  	v33 =	vor.u32 v0, v33;
	_ =	sdelay $0x4  }
0x67: {  	v34 =	vld.idx.msk [tilespmem:v33+s7+$0x0], $0xffff;
	_ =	sdelay $0x4  }
0x68: {  	v34 =	vadd.s32 $0x1, v34  }
0x69: {  	[tilespmem:v33+s7+$0x0] =	vst.idx.msk $0xffff, v34  }
0x6a: {  	v33 =	vld [tilespmem:s14+$0x70];
	_ =	sdelay $0x4  }
0x6b: {  	v33 =	vmul.u32 $0x1A2C3, v33;
	_ =	sdelay $0x1  }
0x6c: {  	v33 =	vshrl.u32 v33, $0x15  }
0x6d: {  	v33 =	vand.u32 $0x7F0, v33  }
0x6e: {  	v33 =	vor.u32 v0, v33;
	_ =	sdelay $0x4  }
0x6f: {  	v34 =	vld.idx.msk [tilespmem:v33+s7+$0x0], $0xffff  }
0x70: {  	p0 =	sne.s32 s13, $0x13800  }
.Ltmp0:
0x71: {  	_ = 	snop;
	(pc) =	sbr.rel @p0 .LBB2_2-.Ltmp0, $3  }
0x72: {  	_ =	sdelay $0x1  }
0x73: {  	v34 =	vadd.s32 $0x1, v34  }
0x74: {  	s13 =	sadd.s32 $0x400, s13;
	[tilespmem:v33+s7+$0x0] =	vst.idx.msk $0xffff, v34  }
0x75: {  	_ =	sdelay $0x3  }
0x76: {  	v33 =	vld.idx.msk [tilespmem:v0+s7+$0x0], $0xffff;
	_ =	sdelay $0x4  }
0x77: {  	(xrf0) =	vadd.scan.msk.s32 $0xffff, v33;
	_ =	sdelay $0x5  }
0x78: {  	v34, _, _ =	vpop (xrf0)  }
0x79: {  	v33 =	vsub.s32 v34, v33  }
0x7a: {  	[tilespmem:v0+s8+$0x0] =	vst.idx.msk $0xffff, v33  }
0x7b: {  	v33 =	vld.idx.msk [tilespmem:v2+s7+$0x0], $0xffff;
	_ =	sdelay $0x4  }
0x7c: {  	(xrf0) =	vadd.scan.msk.s32 $0xffff, v33;
	_ =	sdelay $0x4  }
0x7d: {  	v35 =	vbroadcast v34, $0xF  }
0x7e: {  	(v2sf) =	vpush v34, $0xF;
	v61, _, _ =	vpop (xrf0)  }
0x7f: {  	v33 =	vsub.s32 v35, v33;
	(v2sf) =	vpush v61, $0xF  }
0x80: {  	v33 =	vadd.s32 v61, v33  }
0x81: {  	[tilespmem:v2+s8+$0x0] =	vst.idx.msk $0xffff, v33  }
0x82: {  	v33 =	vld.idx.msk [tilespmem:v3+s7+$0x0], $0xffff;
	_ =	sdelay $0x4  }
0x83: {  	(xrf0) =	vadd.scan.msk.s32 $0xffff, v33;
	_ =	sdelay $0x5  }
0x84: {  	s13 =	spop (v2sf);
	v62, _, _ =	vpop (xrf0)  }
0x85: {  	(v2sf) =	vpush v62, $0xF;
	s14 =	spop (v2sf)  }
0x86: {  	v33 =	vsub.s32 v62, v33;
	s13 =	sadd.s32 s13, s14  }
0x87: {  	v33 =	vadd.s32 s13, v33  }
0x88: {  	[tilespmem:v3+s8+$0x0] =	vst.idx.msk $0xffff, v33  }
0x89: {  	v33 =	vld.idx.msk [tilespmem:v4+s7+$0x0], $0xffff;
	_ =	sdelay $0x4  }
0x8a: {  	(xrf0) =	vadd.scan.msk.s32 $0xffff, v33;
	_ =	sdelay $0x5  }
0x8b: {  	s18 =	spop (v2sf);
	v63, _, _ =	vpop (xrf0)  }
0x8c: {  	s13 =	sadd.s32 s13, s18;
	v33 =	vsub.s32 v63, v33;
	(v2sf) =	vpush v63, $0xF  }
0x8d: {  	v33 =	vadd.s32 s13, v33  }
0x8e: {  	[tilespmem:v4+s8+$0x0] =	vst.idx.msk $0xffff, v33  }
0x8f: {  	v33 =	vld.idx.msk [tilespmem:v5+s7+$0x0], $0xffff;
	_ =	sdelay $0x4  }
0x90: {  	(xrf0) =	vadd.scan.msk.s32 $0xffff, v33;
	_ =	sdelay $0x5  }
0x91: {  	v36, _, _ =	vpop (xrf0)  }
0x92: {  	s19 =	spop (v2sf);
	(v2sf) =	vpush v36, $0xF  }
0x93: {  	v33 =	vsub.s32 v36, v33;
	s13 =	sadd.s32 s13, s19  }
0x94: {  	v33 =	vadd.s32 s13, v33  }
0x95: {  	[tilespmem:v5+s8+$0x0] =	vst.idx.msk $0xffff, v33  }
0x96: {  	v33 =	vld.idx.msk [tilespmem:v6+s7+$0x0], $0xffff;
	_ =	sdelay $0x4  }
0x97: {  	(xrf0) =	vadd.scan.msk.s32 $0xffff, v33;
	_ =	sdelay $0x5  }
0x98: {  	s20 =	spop (v2sf);
	v37, _, _ =	vpop (xrf0)  }
0x99: {  	s13 =	sadd.s32 s13, s20;
	v33 =	vsub.s32 v37, v33;
	(v2sf) =	vpush v37, $0xF  }
0x9a: {  	v33 =	vadd.s32 s13, v33  }
0x9b: {  	[tilespmem:v6+s8+$0x0] =	vst.idx.msk $0xffff, v33  }
0x9c: {  	v33 =	vld.idx.msk [tilespmem:v7+s7+$0x0], $0xffff;
	_ =	sdelay $0x4  }
0x9d: {  	(xrf0) =	vadd.scan.msk.s32 $0xffff, v33;
	_ =	sdelay $0x5  }
0x9e: {  	v38, _, _ =	vpop (xrf0)  }
0x9f: {  	s21 =	spop (v2sf);
	(v2sf) =	vpush v38, $0xF  }
0xa0: {  	v33 =	vsub.s32 v38, v33;
	s13 =	sadd.s32 s13, s21  }
0xa1: {  	v33 =	vadd.s32 s13, v33  }
0xa2: {  	[tilespmem:v7+s8+$0x0] =	vst.idx.msk $0xffff, v33  }
0xa3: {  	v33 =	vld.idx.msk [tilespmem:v8+s7+$0x0], $0xffff;
	_ =	sdelay $0x4  }
0xa4: {  	(xrf0) =	vadd.scan.msk.s32 $0xffff, v33;
	_ =	sdelay $0x5  }
0xa5: {  	s22 =	spop (v2sf);
	v39, _, _ =	vpop (xrf0)  }
0xa6: {  	s13 =	sadd.s32 s13, s22;
	v33 =	vsub.s32 v39, v33;
	(v2sf) =	vpush v39, $0xF  }
0xa7: {  	v33 =	vadd.s32 s13, v33  }
0xa8: {  	[tilespmem:v8+s8+$0x0] =	vst.idx.msk $0xffff, v33  }
0xa9: {  	v33 =	vld.idx.msk [tilespmem:v9+s7+$0x0], $0xffff;
	_ =	sdelay $0x4  }
0xaa: {  	(xrf0) =	vadd.scan.msk.s32 $0xffff, v33;
	_ =	sdelay $0x5  }
0xab: {  	v40, _, _ =	vpop (xrf0)  }
0xac: {  	s23 =	spop (v2sf);
	(v2sf) =	vpush v40, $0xF  }
0xad: {  	v33 =	vsub.s32 v40, v33;
	s13 =	sadd.s32 s13, s23  }
0xae: {  	v33 =	vadd.s32 s13, v33  }
0xaf: {  	[tilespmem:v9+s8+$0x0] =	vst.idx.msk $0xffff, v33  }
0xb0: {  	v33 =	vld.idx.msk [tilespmem:v10+s7+$0x0], $0xffff;
	_ =	sdelay $0x4  }
0xb1: {  	(xrf0) =	vadd.scan.msk.s32 $0xffff, v33;
	_ =	sdelay $0x5  }
0xb2: {  	s24 =	spop (v2sf);
	v41, _, _ =	vpop (xrf0)  }
0xb3: {  	s13 =	sadd.s32 s13, s24;
	v33 =	vsub.s32 v41, v33;
	(v2sf) =	vpush v41, $0xF  }
0xb4: {  	v33 =	vadd.s32 s13, v33  }
0xb5: {  	[tilespmem:v10+s8+$0x0] =	vst.idx.msk $0xffff, v33  }
0xb6: {  	v33 =	vld.idx.msk [tilespmem:v11+s7+$0x0], $0xffff;
	_ =	sdelay $0x4  }
0xb7: {  	(xrf0) =	vadd.scan.msk.s32 $0xffff, v33;
	_ =	sdelay $0x5  }
0xb8: {  	v42, _, _ =	vpop (xrf0)  }
0xb9: {  	s25 =	spop (v2sf);
	(v2sf) =	vpush v42, $0xF  }
0xba: {  	v33 =	vsub.s32 v42, v33;
	s13 =	sadd.s32 s13, s25  }
0xbb: {  	v33 =	vadd.s32 s13, v33  }
0xbc: {  	[tilespmem:v11+s8+$0x0] =	vst.idx.msk $0xffff, v33  }
0xbd: {  	v33 =	vld.idx.msk [tilespmem:v12+s7+$0x0], $0xffff;
	_ =	sdelay $0x4  }
0xbe: {  	(xrf0) =	vadd.scan.msk.s32 $0xffff, v33;
	_ =	sdelay $0x5  }
0xbf: {  	s26 =	spop (v2sf);
	v43, _, _ =	vpop (xrf0)  }
0xc0: {  	s13 =	sadd.s32 s13, s26;
	v33 =	vsub.s32 v43, v33;
	(v2sf) =	vpush v43, $0xF  }
0xc1: {  	v33 =	vadd.s32 s13, v33  }
0xc2: {  	[tilespmem:v12+s8+$0x0] =	vst.idx.msk $0xffff, v33  }
0xc3: {  	v33 =	vld.idx.msk [tilespmem:v13+s7+$0x0], $0xffff;
	_ =	sdelay $0x4  }
0xc4: {  	(xrf0) =	vadd.scan.msk.s32 $0xffff, v33;
	_ =	sdelay $0x5  }
0xc5: {  	v44, _, _ =	vpop (xrf0)  }
0xc6: {  	s28 =	spop (v2sf);
	(v2sf) =	vpush v44, $0xF  }
0xc7: {  	v33 =	vsub.s32 v44, v33;
	s13 =	sadd.s32 s13, s28  }
0xc8: {  	v33 =	vadd.s32 s13, v33  }
0xc9: {  	[tilespmem:v13+s8+$0x0] =	vst.idx.msk $0xffff, v33  }
0xca: {  	v33 =	vld.idx.msk [tilespmem:v14+s7+$0x0], $0xffff;
	_ =	sdelay $0x4  }
0xcb: {  	(xrf0) =	vadd.scan.msk.s32 $0xffff, v33;
	_ =	sdelay $0x5  }
0xcc: {  	s29 =	spop (v2sf);
	v45, _, _ =	vpop (xrf0)  }
0xcd: {  	s13 =	sadd.s32 s13, s29;
	v33 =	vsub.s32 v45, v33;
	(v2sf) =	vpush v45, $0xF  }
0xce: {  	v33 =	vadd.s32 s13, v33  }
0xcf: {  	[tilespmem:v14+s8+$0x0] =	vst.idx.msk $0xffff, v33  }
0xd0: {  	v33 =	vld.idx.msk [tilespmem:v15+s7+$0x0], $0xffff;
	_ =	sdelay $0x4  }
0xd1: {  	(xrf0) =	vadd.scan.msk.s32 $0xffff, v33;
	_ =	sdelay $0x5  }
0xd2: {  	v46, _, _ =	vpop (xrf0)  }
0xd3: {  	s30 =	spop (v2sf);
	(v2sf) =	vpush v46, $0xF  }
0xd4: {  	v33 =	vsub.s32 v46, v33;
	s13 =	sadd.s32 s13, s30  }
0xd5: {  	v33 =	vadd.s32 s13, v33  }
0xd6: {  	[tilespmem:v15+s8+$0x0] =	vst.idx.msk $0xffff, v33  }
0xd7: {  	v33 =	vld.idx.msk [tilespmem:v16+s7+$0x0], $0xffff;
	_ =	sdelay $0x4  }
0xd8: {  	(xrf0) =	vadd.scan.msk.s32 $0xffff, v33;
	_ =	sdelay $0x5  }
0xd9: {  	s31 =	spop (v2sf);
	v47, _, _ =	vpop (xrf0)  }
0xda: {  	s13 =	sadd.s32 s13, s31;
	v33 =	vsub.s32 v47, v33;
	(v2sf) =	vpush v47, $0xF  }
0xdb: {  	v33 =	vadd.s32 s13, v33  }
0xdc: {  	[tilespmem:v16+s8+$0x0] =	vst.idx.msk $0xffff, v33  }
0xdd: {  	v33 =	vld.idx.msk [tilespmem:v17+s7+$0x0], $0xffff;
	_ =	sdelay $0x4  }
0xde: {  	(xrf0) =	vadd.scan.msk.s32 $0xffff, v33;
	_ =	sdelay $0x5  }
0xdf: {  	v48, _, _ =	vpop (xrf0)  }
0xe0: {  	s15 =	spop (v2sf);
	(v2sf) =	vpush v48, $0xF  }
0xe1: {  	v33 =	vsub.s32 v48, v33;
	s13 =	sadd.s32 s13, s15  }
0xe2: {  	v33 =	vadd.s32 s13, v33  }
0xe3: {  	[tilespmem:v17+s8+$0x0] =	vst.idx.msk $0xffff, v33  }
0xe4: {  	v33 =	vld.idx.msk [tilespmem:v18+s7+$0x0], $0xffff;
	_ =	sdelay $0x4  }
0xe5: {  	(xrf0) =	vadd.scan.msk.s32 $0xffff, v33;
	_ =	sdelay $0x5  }
0xe6: {  	s16 =	spop (v2sf);
	v49, _, _ =	vpop (xrf0)  }
0xe7: {  	s13 =	sadd.s32 s13, s16;
	v33 =	vsub.s32 v49, v33;
	(v2sf) =	vpush v49, $0xF  }
0xe8: {  	v33 =	vadd.s32 s13, v33  }
0xe9: {  	[tilespmem:v18+s8+$0x0] =	vst.idx.msk $0xffff, v33  }
0xea: {  	v33 =	vld.idx.msk [tilespmem:v19+s7+$0x0], $0xffff;
	_ =	sdelay $0x4  }
0xeb: {  	(xrf0) =	vadd.scan.msk.s32 $0xffff, v33;
	_ =	sdelay $0x5  }
0xec: {  	v50, _, _ =	vpop (xrf0)  }
0xed: {  	s17 =	spop (v2sf);
	(v2sf) =	vpush v50, $0xF  }
0xee: {  	v33 =	vsub.s32 v50, v33;
	s13 =	sadd.s32 s13, s17  }
0xef: {  	v33 =	vadd.s32 s13, v33  }
0xf0: {  	[tilespmem:v19+s8+$0x0] =	vst.idx.msk $0xffff, v33  }
0xf1: {  	v33 =	vld.idx.msk [tilespmem:v20+s7+$0x0], $0xffff;
	_ =	sdelay $0x4  }
0xf2: {  	(xrf0) =	vadd.scan.msk.s32 $0xffff, v33;
	_ =	sdelay $0x5  }
0xf3: {  	s18 =	spop (v2sf);
	v51, _, _ =	vpop (xrf0)  }
0xf4: {  	s13 =	sadd.s32 s13, s18;
	v33 =	vsub.s32 v51, v33;
	(v2sf) =	vpush v51, $0xF  }
0xf5: {  	v33 =	vadd.s32 s13, v33  }
0xf6: {  	[tilespmem:v20+s8+$0x0] =	vst.idx.msk $0xffff, v33  }
0xf7: {  	v33 =	vld.idx.msk [tilespmem:v21+s7+$0x0], $0xffff;
	_ =	sdelay $0x4  }
0xf8: {  	(xrf0) =	vadd.scan.msk.s32 $0xffff, v33;
	_ =	sdelay $0x5  }
0xf9: {  	v52, _, _ =	vpop (xrf0)  }
0xfa: {  	s19 =	spop (v2sf);
	(v2sf) =	vpush v52, $0xF  }
0xfb: {  	v33 =	vsub.s32 v52, v33;
	s13 =	sadd.s32 s13, s19  }
0xfc: {  	v33 =	vadd.s32 s13, v33  }
0xfd: {  	[tilespmem:v21+s8+$0x0] =	vst.idx.msk $0xffff, v33  }
0xfe: {  	v33 =	vld.idx.msk [tilespmem:v22+s7+$0x0], $0xffff;
	_ =	sdelay $0x4  }
0xff: {  	(xrf0) =	vadd.scan.msk.s32 $0xffff, v33;
	_ =	sdelay $0x5  }
0x100: {  	s20 =	spop (v2sf);
	v53, _, _ =	vpop (xrf0)  }
0x101: {  	s13 =	sadd.s32 s13, s20;
	v33 =	vsub.s32 v53, v33;
	(v2sf) =	vpush v53, $0xF  }
0x102: {  	v33 =	vadd.s32 s13, v33  }
0x103: {  	[tilespmem:v22+s8+$0x0] =	vst.idx.msk $0xffff, v33  }
0x104: {  	v33 =	vld.idx.msk [tilespmem:v23+s7+$0x0], $0xffff;
	_ =	sdelay $0x4  }
0x105: {  	(xrf0) =	vadd.scan.msk.s32 $0xffff, v33;
	_ =	sdelay $0x5  }
0x106: {  	v54, _, _ =	vpop (xrf0)  }
0x107: {  	s21 =	spop (v2sf);
	(v2sf) =	vpush v54, $0xF  }
0x108: {  	v33 =	vsub.s32 v54, v33;
	s13 =	sadd.s32 s13, s21  }
0x109: {  	v33 =	vadd.s32 s13, v33  }
0x10a: {  	[tilespmem:v23+s8+$0x0] =	vst.idx.msk $0xffff, v33  }
0x10b: {  	v33 =	vld.idx.msk [tilespmem:v24+s7+$0x0], $0xffff;
	_ =	sdelay $0x4  }
0x10c: {  	(xrf0) =	vadd.scan.msk.s32 $0xffff, v33;
	_ =	sdelay $0x5  }
0x10d: {  	s22 =	spop (v2sf);
	v55, _, _ =	vpop (xrf0)  }
0x10e: {  	s13 =	sadd.s32 s13, s22;
	v33 =	vsub.s32 v55, v33;
	(v2sf) =	vpush v55, $0xF  }
0x10f: {  	v33 =	vadd.s32 s13, v33  }
0x110: {  	[tilespmem:v24+s8+$0x0] =	vst.idx.msk $0xffff, v33  }
0x111: {  	v33 =	vld.idx.msk [tilespmem:v25+s7+$0x0], $0xffff;
	_ =	sdelay $0x4  }
0x112: {  	(xrf0) =	vadd.scan.msk.s32 $0xffff, v33;
	_ =	sdelay $0x5  }
0x113: {  	v56, _, _ =	vpop (xrf0)  }
0x114: {  	s23 =	spop (v2sf);
	(v2sf) =	vpush v56, $0xF  }
0x115: {  	v33 =	vsub.s32 v56, v33;
	s13 =	sadd.s32 s13, s23  }
0x116: {  	v33 =	vadd.s32 s13, v33  }
0x117: {  	[tilespmem:v25+s8+$0x0] =	vst.idx.msk $0xffff, v33  }
0x118: {  	v33 =	vld.idx.msk [tilespmem:v26+s7+$0x0], $0xffff;
	_ =	sdelay $0x4  }
0x119: {  	(xrf0) =	vadd.scan.msk.s32 $0xffff, v33;
	_ =	sdelay $0x5  }
0x11a: {  	s24 =	spop (v2sf);
	v57, _, _ =	vpop (xrf0)  }
0x11b: {  	s13 =	sadd.s32 s13, s24;
	v33 =	vsub.s32 v57, v33;
	(v2sf) =	vpush v57, $0xF  }
0x11c: {  	v33 =	vadd.s32 s13, v33  }
0x11d: {  	[tilespmem:v26+s8+$0x0] =	vst.idx.msk $0xffff, v33  }
0x11e: {  	v33 =	vld.idx.msk [tilespmem:v27+s7+$0x0], $0xffff;
	_ =	sdelay $0x4  }
0x11f: {  	(xrf0) =	vadd.scan.msk.s32 $0xffff, v33;
	_ =	sdelay $0x5  }
0x120: {  	v58, _, _ =	vpop (xrf0)  }
0x121: {  	s25 =	spop (v2sf);
	(v2sf) =	vpush v58, $0xF  }
0x122: {  	v33 =	vsub.s32 v58, v33;
	s13 =	sadd.s32 s13, s25  }
0x123: {  	v33 =	vadd.s32 s13, v33  }
0x124: {  	[tilespmem:v27+s8+$0x0] =	vst.idx.msk $0xffff, v33  }
0x125: {  	v33 =	vld.idx.msk [tilespmem:v28+s7+$0x0], $0xffff;
	_ =	sdelay $0x4  }
0x126: {  	(xrf0) =	vadd.scan.msk.s32 $0xffff, v33;
	_ =	sdelay $0x5  }
0x127: {  	s26 =	spop (v2sf);
	v59, _, _ =	vpop (xrf0)  }
0x128: {  	s13 =	sadd.s32 s13, s26;
	v33 =	vsub.s32 v59, v33;
	(v2sf) =	vpush v59, $0xF  }
0x129: {  	v33 =	vadd.s32 s13, v33  }
0x12a: {  	[tilespmem:v28+s8+$0x0] =	vst.idx.msk $0xffff, v33  }
0x12b: {  	v33 =	vld.idx.msk [tilespmem:v29+s7+$0x0], $0xffff;
	_ =	sdelay $0x4  }
0x12c: {  	(xrf0) =	vadd.scan.msk.s32 $0xffff, v33;
	_ =	sdelay $0x5  }
0x12d: {  	v60, _, _ =	vpop (xrf0)  }
0x12e: {  	s28 =	spop (v2sf);
	(v2sf) =	vpush v60, $0xF  }
0x12f: {  	v33 =	vsub.s32 v60, v33;
	s13 =	sadd.s32 s13, s28  }
0x130: {  	v33 =	vadd.s32 s13, v33  }
0x131: {  	[tilespmem:v29+s8+$0x0] =	vst.idx.msk $0xffff, v33  }
0x132: {  	v33 =	vld.idx.msk [tilespmem:v30+s7+$0x0], $0xffff;
	_ =	sdelay $0x4  }
0x133: {  	(xrf0) =	vadd.scan.msk.s32 $0xffff, v33;
	_ =	sdelay $0x5  }
0x134: {  	s29 =	spop (v2sf);
	v61, _, _ =	vpop (xrf0)  }
0x135: {  	s13 =	sadd.s32 s13, s29;
	v33 =	vsub.s32 v61, v33;
	(v2sf) =	vpush v61, $0xF  }
0x136: {  	v33 =	vadd.s32 s13, v33  }
0x137: {  	[tilespmem:v30+s8+$0x0] =	vst.idx.msk $0xffff, v33  }
0x138: {  	v33 =	vld.idx.msk [tilespmem:v31+s7+$0x0], $0xffff;
	_ =	sdelay $0x4  }
0x139: {  	(xrf0) =	vadd.scan.msk.s32 $0xffff, v33;
	_ =	sdelay $0x5  }
0x13a: {  	v62, _, _ =	vpop (xrf0)  }
0x13b: {  	s30 =	spop (v2sf);
	(v2sf) =	vpush v62, $0xF  }
0x13c: {  	v33 =	vsub.s32 v62, v33;
	s13 =	sadd.s32 s13, s30  }
0x13d: {  	v33 =	vadd.s32 s13, v33  }
0x13e: {  	[tilespmem:v31+s8+$0x0] =	vst.idx.msk $0xffff, v33  }
0x13f: {  	v33 =	vld.idx.msk [tilespmem:v32+s7+$0x0], $0xffff;
	_ =	sdelay $0x4  }
0x140: {  	(xrf0) =	vadd.scan.msk.s32 $0xffff, v33;
	_ =	sdelay $0x5  }
0x141: {  	s31 =	spop (v2sf);
	v63, _, _ =	vpop (xrf0)  }
0x142: {  	s13 =	sadd.s32 s13, s31;
	v33 =	vsub.s32 v63, v33  }
0x143: {  	v33 =	vadd.s32 s13, v33  }
0x144: {  	s13 =	simm.s32 $0x0;
	[tilespmem:v32+s8+$0x0] =	vst.idx.msk $0xffff, v33  }
.LBB2_4:
0x145: {  	s14 =	sshra.s32 s13, $0x2  }
0x146: {  	v33 =	vld [tilespmem:s14+$0x0];
	_ =	sdelay $0x4  }
0x147: {  	v34 =	vmul.u32 $0x1A2C3, v33;
	_ =	sdelay $0x1  }
0x148: {  	v34 =	vshrl.u32 v34, $0x15  }
0x149: {  	v34 =	vand.u32 $0x7F0, v34  }
0x14a: {  	v34 =	vor.u32 v0, v34;
	_ =	sdelay $0x4  }
0x14b: {  	v35 =	vld.idx.msk [tilespmem:v34+s8+$0x0], $0xffff;
	_ =	sdelay $0x4  }
0x14c: {  	v36 =	vand.u32 $0xFFFFFF80, v35  }
0x14d: {  	v36 =	vadd.s32 v35, v36  }
0x14e: {  	v38 =	vand.u32 $0x7F, v35;
	v37 =	vand.u32 $0xFFFFFF80, v36  }
0x14f: {  	v37 =	vor.u32 v38, v37  }
0x150: {  	v53 =	vld [tilespmem:s14+$0x80];
	v37 =	vadd.s32 $0x80, v37;
	_ =	sdelay $0x1  }
0x151: {  	v35 =	vadd.s32 $0x1, v35  }
0x152: {  	[tilespmem:v34+s8+$0x0] =	vst.idx.msk $0xffff, v35  }
0x153: {  	[tilespmem:v36+s9+$0x0] =	vst.idx.msk $0xffff, v33  }
0x154: {  	[tilespmem:v37+s9+$0x0] =	vst.idx.msk $0xffff, v53  }
0x155: {  	v33 =	vld [tilespmem:s14+$0x10];
	_ =	sdelay $0x4  }
0x156: {  	v54 =	vmul.u32 $0x1A2C3, v33;
	_ =	sdelay $0x1  }
0x157: {  	v34 =	vshrl.u32 v54, $0x15  }
0x158: {  	v34 =	vand.u32 $0x7F0, v34  }
0x159: {  	v34 =	vor.u32 v0, v34;
	_ =	sdelay $0x4  }
0x15a: {  	v35 =	vld.idx.msk [tilespmem:v34+s8+$0x0], $0xffff;
	_ =	sdelay $0x4  }
0x15b: {  	v55 =	vand.u32 $0xFFFFFF80, v35  }
0x15c: {  	v36 =	vadd.s32 v35, v55  }
0x15d: {  	v57 =	vand.u32 $0x7F, v35;
	v56 =	vand.u32 $0xFFFFFF80, v36  }
0x15e: {  	v37 =	vor.u32 v57, v56  }
0x15f: {  	v58 =	vld [tilespmem:s14+$0x90];
	v37 =	vadd.s32 $0x80, v37;
	_ =	sdelay $0x1  }
0x160: {  	v35 =	vadd.s32 $0x1, v35  }
0x161: {  	[tilespmem:v34+s8+$0x0] =	vst.idx.msk $0xffff, v35  }
0x162: {  	[tilespmem:v36+s9+$0x0] =	vst.idx.msk $0xffff, v33  }
0x163: {  	[tilespmem:v37+s9+$0x0] =	vst.idx.msk $0xffff, v58  }
0x164: {  	v33 =	vld [tilespmem:s14+$0x20];
	_ =	sdelay $0x4  }
0x165: {  	v59 =	vmul.u32 $0x1A2C3, v33;
	_ =	sdelay $0x1  }
0x166: {  	v34 =	vshrl.u32 v59, $0x15  }
0x167: {  	v34 =	vand.u32 $0x7F0, v34  }
0x168: {  	v34 =	vor.u32 v0, v34;
	_ =	sdelay $0x4  }
0x169: {  	v35 =	vld.idx.msk [tilespmem:v34+s8+$0x0], $0xffff;
	_ =	sdelay $0x4  }
0x16a: {  	v60 =	vand.u32 $0xFFFFFF80, v35  }
0x16b: {  	v36 =	vadd.s32 v35, v60  }
0x16c: {  	v62 =	vand.u32 $0x7F, v35;
	v61 =	vand.u32 $0xFFFFFF80, v36  }
0x16d: {  	v37 =	vor.u32 v62, v61  }
0x16e: {  	v63 =	vld [tilespmem:s14+$0xA0];
	v37 =	vadd.s32 $0x80, v37;
	_ =	sdelay $0x1  }
0x16f: {  	v35 =	vadd.s32 $0x1, v35  }
0x170: {  	[tilespmem:v34+s8+$0x0] =	vst.idx.msk $0xffff, v35  }
0x171: {  	[tilespmem:v36+s9+$0x0] =	vst.idx.msk $0xffff, v33  }
0x172: {  	[tilespmem:v37+s9+$0x0] =	vst.idx.msk $0xffff, v63  }
0x173: {  	v33 =	vld [tilespmem:s14+$0x30];
	_ =	sdelay $0x4  }
0x174: {  	v39 =	vmul.u32 $0x1A2C3, v33;
	_ =	sdelay $0x1  }
0x175: {  	v34 =	vshrl.u32 v39, $0x15  }
0x176: {  	v34 =	vand.u32 $0x7F0, v34  }
0x177: {  	v34 =	vor.u32 v0, v34;
	_ =	sdelay $0x4  }
0x178: {  	v35 =	vld.idx.msk [tilespmem:v34+s8+$0x0], $0xffff;
	_ =	sdelay $0x4  }
0x179: {  	v40 =	vand.u32 $0xFFFFFF80, v35  }
0x17a: {  	v36 =	vadd.s32 v35, v40  }
0x17b: {  	v42 =	vand.u32 $0x7F, v35;
	v41 =	vand.u32 $0xFFFFFF80, v36  }
0x17c: {  	v37 =	vor.u32 v42, v41  }
0x17d: {  	v43 =	vld [tilespmem:s14+$0xB0];
	v37 =	vadd.s32 $0x80, v37;
	_ =	sdelay $0x1  }
0x17e: {  	v35 =	vadd.s32 $0x1, v35  }
0x17f: {  	[tilespmem:v34+s8+$0x0] =	vst.idx.msk $0xffff, v35  }
0x180: {  	[tilespmem:v36+s9+$0x0] =	vst.idx.msk $0xffff, v33  }
0x181: {  	[tilespmem:v37+s9+$0x0] =	vst.idx.msk $0xffff, v43  }
0x182: {  	v33 =	vld [tilespmem:s14+$0x40];
	_ =	sdelay $0x4  }
0x183: {  	v44 =	vmul.u32 $0x1A2C3, v33;
	_ =	sdelay $0x1  }
0x184: {  	v34 =	vshrl.u32 v44, $0x15  }
0x185: {  	v34 =	vand.u32 $0x7F0, v34  }
0x186: {  	v34 =	vor.u32 v0, v34;
	_ =	sdelay $0x4  }
0x187: {  	v35 =	vld.idx.msk [tilespmem:v34+s8+$0x0], $0xffff;
	_ =	sdelay $0x4  }
0x188: {  	v45 =	vand.u32 $0xFFFFFF80, v35  }
0x189: {  	v36 =	vadd.s32 v35, v45  }
0x18a: {  	v47 =	vand.u32 $0x7F, v35;
	v46 =	vand.u32 $0xFFFFFF80, v36  }
0x18b: {  	v37 =	vor.u32 v47, v46  }
0x18c: {  	v48 =	vld [tilespmem:s14+$0xC0];
	v37 =	vadd.s32 $0x80, v37;
	_ =	sdelay $0x1  }
0x18d: {  	v35 =	vadd.s32 $0x1, v35  }
0x18e: {  	[tilespmem:v34+s8+$0x0] =	vst.idx.msk $0xffff, v35  }
0x18f: {  	[tilespmem:v36+s9+$0x0] =	vst.idx.msk $0xffff, v33  }
0x190: {  	[tilespmem:v37+s9+$0x0] =	vst.idx.msk $0xffff, v48  }
0x191: {  	v33 =	vld [tilespmem:s14+$0x50];
	_ =	sdelay $0x4  }
0x192: {  	v49 =	vmul.u32 $0x1A2C3, v33;
	_ =	sdelay $0x1  }
0x193: {  	v34 =	vshrl.u32 v49, $0x15  }
0x194: {  	v34 =	vand.u32 $0x7F0, v34  }
0x195: {  	v34 =	vor.u32 v0, v34;
	_ =	sdelay $0x4  }
0x196: {  	v35 =	vld.idx.msk [tilespmem:v34+s8+$0x0], $0xffff;
	_ =	sdelay $0x4  }
0x197: {  	v50 =	vand.u32 $0xFFFFFF80, v35  }
0x198: {  	v36 =	vadd.s32 v35, v50  }
0x199: {  	v52 =	vand.u32 $0x7F, v35;
	v51 =	vand.u32 $0xFFFFFF80, v36  }
0x19a: {  	v37 =	vor.u32 v52, v51  }
0x19b: {  	v53 =	vld [tilespmem:s14+$0xD0];
	v37 =	vadd.s32 $0x80, v37;
	_ =	sdelay $0x1  }
0x19c: {  	v35 =	vadd.s32 $0x1, v35  }
0x19d: {  	[tilespmem:v34+s8+$0x0] =	vst.idx.msk $0xffff, v35  }
0x19e: {  	[tilespmem:v36+s9+$0x0] =	vst.idx.msk $0xffff, v33  }
0x19f: {  	[tilespmem:v37+s9+$0x0] =	vst.idx.msk $0xffff, v53  }
0x1a0: {  	v33 =	vld [tilespmem:s14+$0x60];
	_ =	sdelay $0x4  }
0x1a1: {  	v54 =	vmul.u32 $0x1A2C3, v33;
	_ =	sdelay $0x1  }
0x1a2: {  	v34 =	vshrl.u32 v54, $0x15  }
0x1a3: {  	v34 =	vand.u32 $0x7F0, v34  }
0x1a4: {  	v34 =	vor.u32 v0, v34;
	_ =	sdelay $0x4  }
0x1a5: {  	v35 =	vld.idx.msk [tilespmem:v34+s8+$0x0], $0xffff;
	_ =	sdelay $0x4  }
0x1a6: {  	v55 =	vand.u32 $0xFFFFFF80, v35  }
0x1a7: {  	v36 =	vadd.s32 v35, v55  }
0x1a8: {  	v57 =	vand.u32 $0x7F, v35;
	v56 =	vand.u32 $0xFFFFFF80, v36  }
0x1a9: {  	v37 =	vor.u32 v57, v56  }
0x1aa: {  	v58 =	vld [tilespmem:s14+$0xE0];
	v37 =	vadd.s32 $0x80, v37;
	_ =	sdelay $0x1  }
0x1ab: {  	v35 =	vadd.s32 $0x1, v35  }
0x1ac: {  	[tilespmem:v34+s8+$0x0] =	vst.idx.msk $0xffff, v35  }
0x1ad: {  	[tilespmem:v36+s9+$0x0] =	vst.idx.msk $0xffff, v33  }
0x1ae: {  	[tilespmem:v37+s9+$0x0] =	vst.idx.msk $0xffff, v58  }
0x1af: {  	v33 =	vld [tilespmem:s14+$0x70];
	_ =	sdelay $0x4  }
0x1b0: {  	v59 =	vmul.u32 $0x1A2C3, v33;
	_ =	sdelay $0x1  }
0x1b1: {  	v34 =	vshrl.u32 v59, $0x15  }
0x1b2: {  	v34 =	vand.u32 $0x7F0, v34  }
0x1b3: {  	v34 =	vor.u32 v0, v34;
	_ =	sdelay $0x4  }
0x1b4: {  	v35 =	vld.idx.msk [tilespmem:v34+s8+$0x0], $0xffff;
	_ =	sdelay $0x4  }
0x1b5: {  	v60 =	vand.u32 $0xFFFFFF80, v35  }
0x1b6: {  	v36 =	vadd.s32 v35, v60  }
0x1b7: {  	v62 =	vand.u32 $0x7F, v35;
	v61 =	vand.u32 $0xFFFFFF80, v36  }
0x1b8: {  	v37 =	vor.u32 v62, v61  }
0x1b9: {  	p0 =	sne.s32 s13, $0x13800;
	v63 =	vld [tilespmem:s14+$0xF0];
	v37 =	vadd.s32 $0x80, v37  }
.Ltmp1:
0x1ba: {  	_ = 	snop;
	(pc) =	sbr.rel @p0 .LBB2_4-.Ltmp1, $4  }
0x1bb: {  	v35 =	vadd.s32 $0x1, v35  }
0x1bc: {  	[tilespmem:v34+s8+$0x0] =	vst.idx.msk $0xffff, v35  }
0x1bd: {  	[tilespmem:v36+s9+$0x0] =	vst.idx.msk $0xffff, v33  }
0x1be: {  	s13 =	sadd.s32 $0x400, s13;
	[tilespmem:v37+s9+$0x0] =	vst.idx.msk $0xffff, v63  }
0x1bf: {  	s12 =	sadd.s32 $0x1, s12  }
0x1c0: {  	p0 =	sne.s32 s12, s5  }
.Ltmp2:
0x1c1: {  	_ = 	snop;
	(pc) =	sbr.rel @p0 .LBB2_1-.Ltmp2, $4  }
0x1c2: {  	[hbm4b:s4+s10] =	stream.strided.scatter [tilespmem:s9], [sflag:$0x1], $0x4F00, s11, s10, $0x38;
	[tilespmem:$0xA200] =	vst v63  }
0x1c3: {  	_ =	swait.ge [sflag:s6], $0x4F00  }
0x1c4: {  	[sflag:s6] =	ssyncset.done $0x0  }
0x1c5: {  	[sflag:s6] =	ssyncadd.s32 $0xFFFFB100  }
0x1c6: {  	_ =	sfence.sel $0x180000  }
0x1c7: {  	[bflag:$0x0] =	sbarrier.arrive $0xFFFF  }
0x1c8: {  	p0 =	sne.s32 s0, $0x0;
	_ =	strace $0x90000047  }
0x1c9: {  	s0 =	sadd.s32 @!p0 $0x100000, s1;
	[bflag:$0x2] =	sbarrier.arrive $0xFFFF  }
0x1ca: {  	[sflag:s0] =	ssyncadd.tile.s32 @!p0 $0x1;
	_ =	shalt  }
.Lfunc_end2:
_tile_overlayer_lowered:
.L_overlay_start_2:
0x1cb: {  	(tag) =	ssettag $0x2  }
0x1cc: {  	s0 =	rddreg [dreg:$0x0];
	s2 =	stileid.u32  }
0x1cd: {  	s1 =	rddreg [dreg:$0x1];
	p0 =	sne.s32 s2, $0x0  }
0x1ce: {  	s3 =	rddreg [dreg:$0x2];
	[bflag:$0x3] =	sbarrier.arrive $0xFFFF;
	s2 =	simm.s32 @!p0 $0x1C01  }
0x1cf: {  	[timem:s3], [sflag:s2] =	dma.local @!p0 [hbm:s0], s1  }
0x1d0: {  	s0 =	simm.s32 @!p0 $0x1  }
0x1d1: {  	_ =	swait.ge @!p0 [sflag:s0], s1  }
0x1d2: {  	s1 =	ssub.s32 @!p0 $0x0, s1;
	[sflag:s0] =	ssyncset.done @!p0 $0x0  }
0x1d3: {  	[sflag:s0] =	ssyncadd.s32 @!p0 s1  }
0x1d4: {  	[bflag:$0x3] =	sbarrier.arrive $0xFFFF  }
0x1d5: {  	_ =	shalt  }

</sc_bundles>
